<compile_context>
chip_gen: v7x
topology: tpu7x:2x2x1
jax: 0.10.2.dev20260603
libtpu: 0.0.44.dev20260713+nightly
codegen_flags: <defaults>
</compile_context>

<pallas_src>
import functools

import jax
import jax.numpy as jnp
from jax import lax
from jax.experimental import pallas as pl
from jax.experimental.pallas import tpu as pltpu
from jax.experimental.pallas import tpu_sc as plsc

D = 64
D2 = 128
B = 16384
K = 5
EW = 0.8
V = 100000

NC = 2
NS = 16
NW = NC * NS
RPW = B // NW
C = 32
NCH = RPW // C
NL = 16


def _sc_gather(idx_lists, table):
    mesh = plsc.VectorSubcoreMesh(
        core_axis_name="c", subcore_axis_name="s", num_cores=NC, num_subcores=NS
    )
    NI = 2 * K + 2

    @functools.partial(
        pl.kernel,
        out_type=[jax.ShapeDtypeStruct((B, D2), jnp.float32),
                  jax.ShapeDtypeStruct((B, D2), jnp.float32),
                  jax.ShapeDtypeStruct((B, D2), jnp.float32)],
        name="sc_gather_pool",
        mesh=mesh,
        compiler_params=pltpu.CompilerParams(use_tc_tiling_on_sc=False,
                                             needs_layout_passes=False),
        scratch_types=[
            [pltpu.VMEM((RPW,), jnp.int32)] * NI,
            [[pltpu.VMEM((C, D2), jnp.float32)] * 2] * NI,
            [pltpu.VMEM((C, D2), jnp.float32)] * 2,
            [pltpu.SemaphoreType.DMA] * 2,
            [pltpu.SemaphoreType.DMA] * 2,
            [pltpu.SemaphoreType.DMA] * 2,
        ],
    )
    def k(*refs):
        icat_hbm = refs[0]
        table_hbm = refs[1]
        octx, opos, oneg = refs[2], refs[3], refs[4]
        idx_v, bufs, pk, gsem, csem, fsem = refs[5:]
        wid = lax.axis_index("s") * NC + lax.axis_index("c")
        base = wid * RPW

        hs = [pltpu.async_copy(icat_hbm.at[pl.ds(t * B + base, RPW)], idx_v[t],
                               gsem[0]) for t in range(NI)]
        for h in hs:
            h.wait()

        def fire(c, b, ts):
            for t in ts:
                pltpu.async_copy(
                    table_hbm.at[idx_v[t].at[pl.ds(c * C, C)]],
                    bufs[t][b], gsem[b])

        def drain_gathers(b):
            for t in range(NI):
                pltpu.make_async_copy(
                    table_hbm.at[pl.ds(0, C)], bufs[t][b], gsem[b]).wait()

        def drain_fwd(b):
            for out in (opos, oneg):
                pltpu.make_async_copy(
                    bufs[0][b], out.at[pl.ds(base, C)], fsem[b]).wait()

        fire(0, 0, range(NI))
        fire(1, 1, range(NI))

        def outer(i, carry):
            g = i * 2
            for b in range(2):
                cc = g + b
                row0 = base + cc * C
                drain_gathers(b)

                pltpu.async_copy(bufs[2 * K][b], opos.at[pl.ds(row0, C)],
                                 fsem[b])
                pltpu.async_copy(bufs[2 * K + 1][b], oneg.at[pl.ds(row0, C)],
                                 fsem[b])

                @pl.when(cc >= 2)
                def _():
                    pltpu.make_async_copy(
                        pk[b], octx.at[pl.ds(base, C)], csem[b]).wait()

                def row_body(r, _):
                    for half in range(2):
                        t0 = half * K
                        for j in range(D // NL):
                            v = bufs[t0][b][r, pl.ds(NL * j, NL)]
                            for t in range(t0 + 1, t0 + K):
                                v = v + bufs[t][b][r, pl.ds(NL * j, NL)]
                            pk[b][r, pl.ds(half * D + NL * j, NL)] = v
                    return 0

                lax.fori_loop(0, C, row_body, 0)
                pltpu.async_copy(pk[b], octx.at[pl.ds(row0, C)], csem[b])

                @pl.when(cc + 2 < NCH)
                def _():
                    fire(cc + 2, b, range(2 * K))
                    drain_fwd(b)
                    fire(cc + 2, b, (2 * K, 2 * K + 1))
            return carry

        lax.fori_loop(0, NCH // 2, outer, 0)

        for b in range(2):
            pltpu.make_async_copy(
                pk[b], octx.at[pl.ds(base, C)], csem[b]).wait()
            drain_fwd(b)

    return k(idx_lists, table)


def _tc_body(ctx_ref, pos_ref, neg_ref, w1_ref, b1_ref, g_ref, be_ref,
             w2_ref, b2_ref, po_ref, no_ref):
    h = jnp.dot(ctx_ref[...], w1_ref[...], preferred_element_type=jnp.float32)
    h = h + b1_ref[...]
    mu = jnp.mean(h, axis=-1, keepdims=True)
    var = jnp.mean((h - mu) ** 2, axis=-1, keepdims=True)
    h = (h - mu) * lax.rsqrt(var + 1e-5) * g_ref[...] + be_ref[...]
    h = jnp.maximum(h, 0.0)
    cv = jnp.dot(h, w2_ref[...], preferred_element_type=jnp.float32) + b2_ref[...]
    po_ref[...] = jnp.sum(cv * pos_ref[:, :D], axis=-1)
    no_ref[...] = jnp.sum(cv * neg_ref[:, :D], axis=-1)


def _tc_mlp(ctx, pos, neg, w1, b1, gamma, beta, w2, b2):
    R = 2048
    grid = (B // R,)
    vec_spec = pl.BlockSpec((R,), lambda i: (i,))
    return pl.pallas_call(
        _tc_body,
        grid=grid,
        in_specs=[pl.BlockSpec((R, D2), lambda i: (i, 0)),
                  pl.BlockSpec((R, D2), lambda i: (i, 0)),
                  pl.BlockSpec((R, D2), lambda i: (i, 0)),
                  pl.BlockSpec((D2, D), lambda i: (0, 0)),
                  pl.BlockSpec((1, D), lambda i: (0, 0)),
                  pl.BlockSpec((1, D), lambda i: (0, 0)),
                  pl.BlockSpec((1, D), lambda i: (0, 0)),
                  pl.BlockSpec((D, D), lambda i: (0, 0)),
                  pl.BlockSpec((1, D), lambda i: (0, 0))],
        out_specs=[vec_spec, vec_spec],
        out_shape=[jax.ShapeDtypeStruct((B,), jnp.float32),
                   jax.ShapeDtypeStruct((B,), jnp.float32)],
    )(ctx, pos, neg, w1, b1, gamma, beta, w2, b2)


def kernel(ally_ids, enemy_ids, pos_hero_id, neg_hero_id, hero_emb, hero_bias,
           W1, b1, gamma, beta, W2, b2):
    del hero_bias
    ally_i = ally_ids.astype(jnp.int32)
    enemy_i = enemy_ids.astype(jnp.int32)
    idx_lists = jnp.concatenate(
        [jnp.minimum(ally_i[:, t], V) for t in range(K)]
        + [jnp.minimum(enemy_i[:, t], V) for t in range(K)]
        + [pos_hero_id.astype(jnp.int32), neg_hero_id.astype(jnp.int32)])

    table128 = jnp.pad(hero_emb, ((0, 0), (0, D)))
    ctx, pos, neg = _sc_gather(idx_lists, table128)

    scale = jnp.concatenate(
        [jnp.full((D, 1), 1.0 / K, jnp.float32),
         jnp.full((D, 1), EW / K, jnp.float32)], axis=0)
    pos_score, neg_score = _tc_mlp(
        ctx, pos, neg, W1 * scale, b1.reshape(1, D), gamma.reshape(1, D),
        beta.reshape(1, D), W2, b2.reshape(1, D))
    return (pos_score, neg_score)

# --- scband reference (transcript-rebuilt; emitter-appended) ---
"""Pipeline reference for scband-latent-draft-bpr-50903952392438 (READ-ONLY COPY).

The authoritative reference and input builder live on the scoring server;
editing this copy changes nothing except your own understanding.
"""

import jax, jax.numpy as jnp
import numpy as np

V = 100000
D = 64
B = 16384
ENEMY_WEIGHT = 0.8


def _layernorm(x, gamma, beta, eps=1e-5):
    mu = x.mean(axis=-1, keepdims=True)
    var = ((x - mu) ** 2).mean(axis=-1, keepdims=True)
    return (x - mu) / jnp.sqrt(var + eps) * gamma + beta


def setup_inputs(seed: int = 0) -> dict:
    key = jax.random.key(seed)
    ks = jax.random.split(key, 9)
    ally_ids = jax.random.randint(ks[0], (B, 5), 0, V + 1)
    enemy_ids = jax.random.randint(ks[1], (B, 5), 0, V + 1)
    pos_hero_id = jax.random.randint(ks[2], (B,), 0, V + 1)
    neg_hero_id = jax.random.randint(ks[3], (B,), 0, V + 1)
    limit = float(np.sqrt(6.0 / ((V + 1) + D)))
    hero_emb = jax.random.uniform(ks[4], (V + 1, D), minval=-limit, maxval=limit, dtype=jnp.float32)
    hero_emb = hero_emb.at[0].set(0.0)
    hero_bias = jnp.zeros((V + 1, 1), dtype=jnp.float32)
    s1 = float(np.sqrt(1.0 / (2 * D)))
    W1 = jax.random.uniform(ks[5], (2 * D, D), minval=-s1, maxval=s1, dtype=jnp.float32)
    b1 = jax.random.uniform(ks[6], (D,), minval=-s1, maxval=s1, dtype=jnp.float32)
    gamma = jnp.ones((D,), dtype=jnp.float32)
    beta = jnp.zeros((D,), dtype=jnp.float32)
    s2 = float(np.sqrt(1.0 / D))
    W2 = jax.random.uniform(ks[7], (D, D), minval=-s2, maxval=s2, dtype=jnp.float32)
    b2 = jax.random.uniform(ks[8], (D,), minval=-s2, maxval=s2, dtype=jnp.float32)
    return {"ally_ids": ally_ids, "enemy_ids": enemy_ids, "pos_hero_id": pos_hero_id, "neg_hero_id": neg_hero_id, "hero_emb": hero_emb, "hero_bias": hero_bias, "W1": W1, "b1": b1, "gamma": gamma, "beta": beta, "W2": W2, "b2": b2}


def reference(ally_ids, enemy_ids, pos_hero_id, neg_hero_id, hero_emb, hero_bias, W1, b1, gamma, beta, W2, b2):
    ally_emb = jnp.take(hero_emb, ally_ids, axis=0).mean(axis=1)
    enemy_emb = jnp.take(hero_emb, enemy_ids, axis=0).mean(axis=1)
    context_cat = jnp.concatenate([ally_emb, ENEMY_WEIGHT * enemy_emb], axis=-1)
    h = context_cat @ W1 + b1
    h = _layernorm(h, gamma, beta)
    h = jax.nn.relu(h)
    context_vec = h @ W2 + b2

    def score(hero_ids):
        hero_vec = jnp.take(hero_emb, hero_ids, axis=0)
        hero_b = jnp.take(hero_bias, hero_ids, axis=0)[:, 0]
        return (context_vec * hero_vec).sum(axis=-1) + hero_b

    pos_score = score(pos_hero_id)
    neg_score = score(neg_hero_id)
    return (pos_score, neg_score)

if __name__ == "__main__":
    import jax
    _d = setup_inputs()
    print(jax.jit(kernel)(*tuple(_d.values())))

</pallas_src>

<mosaic_0001>
#map = affine_map<(d0, d1) -> (0)>
#map1 = affine_map<(d0, d1) -> (0, 0)>
module attributes {stable_mosaic.version = 14 : i64} {
  func.func @sc_gather_pool(%arg0: i32, %arg1: i32, %arg2: memref<196608xi32, #tpu.memory_space<hbm>>, %arg3: memref<100001x128xf32, #tpu.memory_space<hbm>>, %arg4: memref<16384x128xf32, #tpu.memory_space<hbm>>, %arg5: memref<16384x128xf32, #tpu.memory_space<hbm>>, %arg6: memref<16384x128xf32, #tpu.memory_space<hbm>>, %arg7: memref<512xi32, #tpu.memory_space<vmem>>, %arg8: memref<512xi32, #tpu.memory_space<vmem>>, %arg9: memref<512xi32, #tpu.memory_space<vmem>>, %arg10: memref<512xi32, #tpu.memory_space<vmem>>, %arg11: memref<512xi32, #tpu.memory_space<vmem>>, %arg12: memref<512xi32, #tpu.memory_space<vmem>>, %arg13: memref<512xi32, #tpu.memory_space<vmem>>, %arg14: memref<512xi32, #tpu.memory_space<vmem>>, %arg15: memref<512xi32, #tpu.memory_space<vmem>>, %arg16: memref<512xi32, #tpu.memory_space<vmem>>, %arg17: memref<512xi32, #tpu.memory_space<vmem>>, %arg18: memref<512xi32, #tpu.memory_space<vmem>>, %arg19: memref<32x128xf32, #tpu.memory_space<vmem>>, %arg20: memref<32x128xf32, #tpu.memory_space<vmem>>, %arg21: memref<32x128xf32, #tpu.memory_space<vmem>>, %arg22: memref<32x128xf32, #tpu.memory_space<vmem>>, %arg23: memref<32x128xf32, #tpu.memory_space<vmem>>, %arg24: memref<32x128xf32, #tpu.memory_space<vmem>>, %arg25: memref<32x128xf32, #tpu.memory_space<vmem>>, %arg26: memref<32x128xf32, #tpu.memory_space<vmem>>, %arg27: memref<32x128xf32, #tpu.memory_space<vmem>>, %arg28: memref<32x128xf32, #tpu.memory_space<vmem>>, %arg29: memref<32x128xf32, #tpu.memory_space<vmem>>, %arg30: memref<32x128xf32, #tpu.memory_space<vmem>>, %arg31: memref<32x128xf32, #tpu.memory_space<vmem>>, %arg32: memref<32x128xf32, #tpu.memory_space<vmem>>, %arg33: memref<32x128xf32, #tpu.memory_space<vmem>>, %arg34: memref<32x128xf32, #tpu.memory_space<vmem>>, %arg35: memref<32x128xf32, #tpu.memory_space<vmem>>, %arg36: memref<32x128xf32, #tpu.memory_space<vmem>>, %arg37: memref<32x128xf32, #tpu.memory_space<vmem>>, %arg38: memref<32x128xf32, #tpu.memory_space<vmem>>, %arg39: memref<32x128xf32, #tpu.memory_space<vmem>>, %arg40: memref<32x128xf32, #tpu.memory_space<vmem>>, %arg41: memref<32x128xf32, #tpu.memory_space<vmem>>, %arg42: memref<32x128xf32, #tpu.memory_space<vmem>>, %arg43: memref<32x128xf32, #tpu.memory_space<vmem>>, %arg44: memref<32x128xf32, #tpu.memory_space<vmem>>, %arg45: memref<!tpu.dma_semaphore, #tpu.memory_space<semaphore_mem>>, %arg46: memref<!tpu.dma_semaphore, #tpu.memory_space<semaphore_mem>>, %arg47: memref<!tpu.dma_semaphore, #tpu.memory_space<semaphore_mem>>, %arg48: memref<!tpu.dma_semaphore, #tpu.memory_space<semaphore_mem>>, %arg49: memref<!tpu.dma_semaphore, #tpu.memory_space<semaphore_mem>>, %arg50: memref<!tpu.dma_semaphore, #tpu.memory_space<semaphore_mem>>) attributes {dimension_semantics = [#tpu.dimension_semantics<core_parallel>, #tpu.dimension_semantics<subcore_parallel>], iteration_bounds = array<i64: 2, 16>, scalar_prefetch = 0 : i64, scratch_operands = 44 : i64, tpu.core_type = #tpu.core_type<sc_vector_subcore>, window_params = [{transform_indices = #map}, {transform_indices = #map1}, {transform_indices = #map1}, {transform_indices = #map1}, {transform_indices = #map1}]} {
    %mul3A = arith.constant 2 : i32
    %mul3A_0 = arith.muli %arg1, %mul3A : i32
    %add3A = arith.addi %mul3A_0, %arg0 : i32
    %mul3A_1 = arith.constant 512 : i32
    %mul3A_2 = arith.muli %add3A, %mul3A_1 : i32
    %add3A_3 = arith.constant 0 : i32
    %add3A_4 = arith.addi %add3A_3, %mul3A_2 : i32
    %dma_start3A = tpu.memref_slice %arg2[%add3A_4] : memref<196608xi32, #tpu.memory_space<hbm>> -> memref<512xi32, #tpu.memory_space<hbm>>
    %dma_start3A_5 = tpu.memref_slice %arg2[%add3A_4] : memref<196608xi32, #tpu.memory_space<hbm>> -> memref<512xi32, #tpu.memory_space<hbm>>
    tpu.enqueue_dma source(%dma_start3A_5 : memref<512xi32, #tpu.memory_space<hbm>>) target(%arg7 : memref<512xi32, #tpu.memory_space<vmem>>) target_semaphore(%arg45 : memref<!tpu.dma_semaphore, #tpu.memory_space<semaphore_mem>>)
    %add3A_6 = arith.constant 16384 : i32
    %add3A_7 = arith.addi %add3A_6, %mul3A_2 : i32
    %dma_start3A_8 = tpu.memref_slice %arg2[%add3A_7] : memref<196608xi32, #tpu.memory_space<hbm>> -> memref<512xi32, #tpu.memory_space<hbm>>
    %dma_start3A_9 = tpu.memref_slice %arg2[%add3A_7] : memref<196608xi32, #tpu.memory_space<hbm>> -> memref<512xi32, #tpu.memory_space<hbm>>
    tpu.enqueue_dma source(%dma_start3A_9 : memref<512xi32, #tpu.memory_space<hbm>>) target(%arg8 : memref<512xi32, #tpu.memory_space<vmem>>) target_semaphore(%arg45 : memref<!tpu.dma_semaphore, #tpu.memory_space<semaphore_mem>>)
    %add3A_10 = arith.constant 32768 : i32
    %add3A_11 = arith.addi %add3A_10, %mul3A_2 : i32
    %dma_start3A_12 = tpu.memref_slice %arg2[%add3A_11] : memref<196608xi32, #tpu.memory_space<hbm>> -> memref<512xi32, #tpu.memory_space<hbm>>
    %dma_start3A_13 = tpu.memref_slice %arg2[%add3A_11] : memref<196608xi32, #tpu.memory_space<hbm>> -> memref<512xi32, #tpu.memory_space<hbm>>
    tpu.enqueue_dma source(%dma_start3A_13 : memref<512xi32, #tpu.memory_space<hbm>>) target(%arg9 : memref<512xi32, #tpu.memory_space<vmem>>) target_semaphore(%arg45 : memref<!tpu.dma_semaphore, #tpu.memory_space<semaphore_mem>>)
    %add3A_14 = arith.constant 49152 : i32
    %add3A_15 = arith.addi %add3A_14, %mul3A_2 : i32
    %dma_start3A_16 = tpu.memref_slice %arg2[%add3A_15] : memref<196608xi32, #tpu.memory_space<hbm>> -> memref<512xi32, #tpu.memory_space<hbm>>
    %dma_start3A_17 = tpu.memref_slice %arg2[%add3A_15] : memref<196608xi32, #tpu.memory_space<hbm>> -> memref<512xi32, #tpu.memory_space<hbm>>
    tpu.enqueue_dma source(%dma_start3A_17 : memref<512xi32, #tpu.memory_space<hbm>>) target(%arg10 : memref<512xi32, #tpu.memory_space<vmem>>) target_semaphore(%arg45 : memref<!tpu.dma_semaphore, #tpu.memory_space<semaphore_mem>>)
    %add3A_18 = arith.constant 65536 : i32
    %add3A_19 = arith.addi %add3A_18, %mul3A_2 : i32
    %dma_start3A_20 = tpu.memref_slice %arg2[%add3A_19] : memref<196608xi32, #tpu.memory_space<hbm>> -> memref<512xi32, #tpu.memory_space<hbm>>
    %dma_start3A_21 = tpu.memref_slice %arg2[%add3A_19] : memref<196608xi32, #tpu.memory_space<hbm>> -> memref<512xi32, #tpu.memory_space<hbm>>
    tpu.enqueue_dma source(%dma_start3A_21 : memref<512xi32, #tpu.memory_space<hbm>>) target(%arg11 : memref<512xi32, #tpu.memory_space<vmem>>) target_semaphore(%arg45 : memref<!tpu.dma_semaphore, #tpu.memory_space<semaphore_mem>>)
    %add3A_22 = arith.constant 81920 : i32
    %add3A_23 = arith.addi %add3A_22, %mul3A_2 : i32
    %dma_start3A_24 = tpu.memref_slice %arg2[%add3A_23] : memref<196608xi32, #tpu.memory_space<hbm>> -> memref<512xi32, #tpu.memory_space<hbm>>
    %dma_start3A_25 = tpu.memref_slice %arg2[%add3A_23] : memref<196608xi32, #tpu.memory_space<hbm>> -> memref<512xi32, #tpu.memory_space<hbm>>
    tpu.enqueue_dma source(%dma_start3A_25 : memref<512xi32, #tpu.memory_space<hbm>>) target(%arg12 : memref<512xi32, #tpu.memory_space<vmem>>) target_semaphore(%arg45 : memref<!tpu.dma_semaphore, #tpu.memory_space<semaphore_mem>>)
    %add3A_26 = arith.constant 98304 : i32
    %add3A_27 = arith.addi %add3A_26, %mul3A_2 : i32
    %dma_start3A_28 = tpu.memref_slice %arg2[%add3A_27] : memref<196608xi32, #tpu.memory_space<hbm>> -> memref<512xi32, #tpu.memory_space<hbm>>
    %dma_start3A_29 = tpu.memref_slice %arg2[%add3A_27] : memref<196608xi32, #tpu.memory_space<hbm>> -> memref<512xi32, #tpu.memory_space<hbm>>
    tpu.enqueue_dma source(%dma_start3A_29 : memref<512xi32, #tpu.memory_space<hbm>>) target(%arg13 : memref<512xi32, #tpu.memory_space<vmem>>) target_semaphore(%arg45 : memref<!tpu.dma_semaphore, #tpu.memory_space<semaphore_mem>>)
    %add3A_30 = arith.constant 114688 : i32
    %add3A_31 = arith.addi %add3A_30, %mul3A_2 : i32
    %dma_start3A_32 = tpu.memref_slice %arg2[%add3A_31] : memref<196608xi32, #tpu.memory_space<hbm>> -> memref<512xi32, #tpu.memory_space<hbm>>
    %dma_start3A_33 = tpu.memref_slice %arg2[%add3A_31] : memref<196608xi32, #tpu.memory_space<hbm>> -> memref<512xi32, #tpu.memory_space<hbm>>
    tpu.enqueue_dma source(%dma_start3A_33 : memref<512xi32, #tpu.memory_space<hbm>>) target(%arg14 : memref<512xi32, #tpu.memory_space<vmem>>) target_semaphore(%arg45 : memref<!tpu.dma_semaphore, #tpu.memory_space<semaphore_mem>>)
    %add3A_34 = arith.constant 131072 : i32
    %add3A_35 = arith.addi %add3A_34, %mul3A_2 : i32
    %dma_start3A_36 = tpu.memref_slice %arg2[%add3A_35] : memref<196608xi32, #tpu.memory_space<hbm>> -> memref<512xi32, #tpu.memory_space<hbm>>
    %dma_start3A_37 = tpu.memref_slice %arg2[%add3A_35] : memref<196608xi32, #tpu.memory_space<hbm>> -> memref<512xi32, #tpu.memory_space<hbm>>
    tpu.enqueue_dma source(%dma_start3A_37 : memref<512xi32, #tpu.memory_space<hbm>>) target(%arg15 : memref<512xi32, #tpu.memory_space<vmem>>) target_semaphore(%arg45 : memref<!tpu.dma_semaphore, #tpu.memory_space<semaphore_mem>>)
    %add3A_38 = arith.constant 147456 : i32
    %add3A_39 = arith.addi %add3A_38, %mul3A_2 : i32
    %dma_start3A_40 = tpu.memref_slice %arg2[%add3A_39] : memref<196608xi32, #tpu.memory_space<hbm>> -> memref<512xi32, #tpu.memory_space<hbm>>
    %dma_start3A_41 = tpu.memref_slice %arg2[%add3A_39] : memref<196608xi32, #tpu.memory_space<hbm>> -> memref<512xi32, #tpu.memory_space<hbm>>
    tpu.enqueue_dma source(%dma_start3A_41 : memref<512xi32, #tpu.memory_space<hbm>>) target(%arg16 : memref<512xi32, #tpu.memory_space<vmem>>) target_semaphore(%arg45 : memref<!tpu.dma_semaphore, #tpu.memory_space<semaphore_mem>>)
    %add3A_42 = arith.constant 163840 : i32
    %add3A_43 = arith.addi %add3A_42, %mul3A_2 : i32
    %dma_start3A_44 = tpu.memref_slice %arg2[%add3A_43] : memref<196608xi32, #tpu.memory_space<hbm>> -> memref<512xi32, #tpu.memory_space<hbm>>
    %dma_start3A_45 = tpu.memref_slice %arg2[%add3A_43] : memref<196608xi32, #tpu.memory_space<hbm>> -> memref<512xi32, #tpu.memory_space<hbm>>
    tpu.enqueue_dma source(%dma_start3A_45 : memref<512xi32, #tpu.memory_space<hbm>>) target(%arg17 : memref<512xi32, #tpu.memory_space<vmem>>) target_semaphore(%arg45 : memref<!tpu.dma_semaphore, #tpu.memory_space<semaphore_mem>>)
    %add3A_46 = arith.constant 180224 : i32
    %add3A_47 = arith.addi %add3A_46, %mul3A_2 : i32
    %dma_start3A_48 = tpu.memref_slice %arg2[%add3A_47] : memref<196608xi32, #tpu.memory_space<hbm>> -> memref<512xi32, #tpu.memory_space<hbm>>
    %dma_start3A_49 = tpu.memref_slice %arg2[%add3A_47] : memref<196608xi32, #tpu.memory_space<hbm>> -> memref<512xi32, #tpu.memory_space<hbm>>
    tpu.enqueue_dma source(%dma_start3A_49 : memref<512xi32, #tpu.memory_space<hbm>>) target(%arg18 : memref<512xi32, #tpu.memory_space<vmem>>) target_semaphore(%arg45 : memref<!tpu.dma_semaphore, #tpu.memory_space<semaphore_mem>>)
    %dma_wait3A = tpu.memref_slice %arg2[%add3A_4] : memref<196608xi32, #tpu.memory_space<hbm>> -> memref<512xi32, #tpu.memory_space<hbm>>
    %dma_wait3A_50 = tpu.memref_slice %arg2[%add3A_4] : memref<196608xi32, #tpu.memory_space<hbm>> -> memref<512xi32, #tpu.memory_space<hbm>>
    tpu.wait_dma2 semaphore(%arg45 : memref<!tpu.dma_semaphore, #tpu.memory_space<semaphore_mem>>) src(%dma_wait3A_50 : memref<512xi32, #tpu.memory_space<hbm>>) dst(%arg7 : memref<512xi32, #tpu.memory_space<vmem>>)
    %dma_wait3A_51 = tpu.memref_slice %arg2[%add3A_7] : memref<196608xi32, #tpu.memory_space<hbm>> -> memref<512xi32, #tpu.memory_space<hbm>>
    %dma_wait3A_52 = tpu.memref_slice %arg2[%add3A_7] : memref<196608xi32, #tpu.memory_space<hbm>> -> memref<512xi32, #tpu.memory_space<hbm>>
    tpu.wait_dma2 semaphore(%arg45 : memref<!tpu.dma_semaphore, #tpu.memory_space<semaphore_mem>>) src(%dma_wait3A_52 : memref<512xi32, #tpu.memory_space<hbm>>) dst(%arg8 : memref<512xi32, #tpu.memory_space<vmem>>)
    %dma_wait3A_53 = tpu.memref_slice %arg2[%add3A_11] : memref<196608xi32, #tpu.memory_space<hbm>> -> memref<512xi32, #tpu.memory_space<hbm>>
    %dma_wait3A_54 = tpu.memref_slice %arg2[%add3A_11] : memref<196608xi32, #tpu.memory_space<hbm>> -> memref<512xi32, #tpu.memory_space<hbm>>
    tpu.wait_dma2 semaphore(%arg45 : memref<!tpu.dma_semaphore, #tpu.memory_space<semaphore_mem>>) src(%dma_wait3A_54 : memref<512xi32, #tpu.memory_space<hbm>>) dst(%arg9 : memref<512xi32, #tpu.memory_space<vmem>>)
    %dma_wait3A_55 = tpu.memref_slice %arg2[%add3A_15] : memref<196608xi32, #tpu.memory_space<hbm>> -> memref<512xi32, #tpu.memory_space<hbm>>
    %dma_wait3A_56 = tpu.memref_slice %arg2[%add3A_15] : memref<196608xi32, #tpu.memory_space<hbm>> -> memref<512xi32, #tpu.memory_space<hbm>>
    tpu.wait_dma2 semaphore(%arg45 : memref<!tpu.dma_semaphore, #tpu.memory_space<semaphore_mem>>) src(%dma_wait3A_56 : memref<512xi32, #tpu.memory_space<hbm>>) dst(%arg10 : memref<512xi32, #tpu.memory_space<vmem>>)
    %dma_wait3A_57 = tpu.memref_slice %arg2[%add3A_19] : memref<196608xi32, #tpu.memory_space<hbm>> -> memref<512xi32, #tpu.memory_space<hbm>>
    %dma_wait3A_58 = tpu.memref_slice %arg2[%add3A_19] : memref<196608xi32, #tpu.memory_space<hbm>> -> memref<512xi32, #tpu.memory_space<hbm>>
    tpu.wait_dma2 semaphore(%arg45 : memref<!tpu.dma_semaphore, #tpu.memory_space<semaphore_mem>>) src(%dma_wait3A_58 : memref<512xi32, #tpu.memory_space<hbm>>) dst(%arg11 : memref<512xi32, #tpu.memory_space<vmem>>)
    %dma_wait3A_59 = tpu.memref_slice %arg2[%add3A_23] : memref<196608xi32, #tpu.memory_space<hbm>> -> memref<512xi32, #tpu.memory_space<hbm>>
    %dma_wait3A_60 = tpu.memref_slice %arg2[%add3A_23] : memref<196608xi32, #tpu.memory_space<hbm>> -> memref<512xi32, #tpu.memory_space<hbm>>
    tpu.wait_dma2 semaphore(%arg45 : memref<!tpu.dma_semaphore, #tpu.memory_space<semaphore_mem>>) src(%dma_wait3A_60 : memref<512xi32, #tpu.memory_space<hbm>>) dst(%arg12 : memref<512xi32, #tpu.memory_space<vmem>>)
    %dma_wait3A_61 = tpu.memref_slice %arg2[%add3A_27] : memref<196608xi32, #tpu.memory_space<hbm>> -> memref<512xi32, #tpu.memory_space<hbm>>
    %dma_wait3A_62 = tpu.memref_slice %arg2[%add3A_27] : memref<196608xi32, #tpu.memory_space<hbm>> -> memref<512xi32, #tpu.memory_space<hbm>>
    tpu.wait_dma2 semaphore(%arg45 : memref<!tpu.dma_semaphore, #tpu.memory_space<semaphore_mem>>) src(%dma_wait3A_62 : memref<512xi32, #tpu.memory_space<hbm>>) dst(%arg13 : memref<512xi32, #tpu.memory_space<vmem>>)
    %dma_wait3A_63 = tpu.memref_slice %arg2[%add3A_31] : memref<196608xi32, #tpu.memory_space<hbm>> -> memref<512xi32, #tpu.memory_space<hbm>>
    %dma_wait3A_64 = tpu.memref_slice %arg2[%add3A_31] : memref<196608xi32, #tpu.memory_space<hbm>> -> memref<512xi32, #tpu.memory_space<hbm>>
    tpu.wait_dma2 semaphore(%arg45 : memref<!tpu.dma_semaphore, #tpu.memory_space<semaphore_mem>>) src(%dma_wait3A_64 : memref<512xi32, #tpu.memory_space<hbm>>) dst(%arg14 : memref<512xi32, #tpu.memory_space<vmem>>)
    %dma_wait3A_65 = tpu.memref_slice %arg2[%add3A_35] : memref<196608xi32, #tpu.memory_space<hbm>> -> memref<512xi32, #tpu.memory_space<hbm>>
    %dma_wait3A_66 = tpu.memref_slice %arg2[%add3A_35] : memref<196608xi32, #tpu.memory_space<hbm>> -> memref<512xi32, #tpu.memory_space<hbm>>
    tpu.wait_dma2 semaphore(%arg45 : memref<!tpu.dma_semaphore, #tpu.memory_space<semaphore_mem>>) src(%dma_wait3A_66 : memref<512xi32, #tpu.memory_space<hbm>>) dst(%arg15 : memref<512xi32, #tpu.memory_space<vmem>>)
    %dma_wait3A_67 = tpu.memref_slice %arg2[%add3A_39] : memref<196608xi32, #tpu.memory_space<hbm>> -> memref<512xi32, #tpu.memory_space<hbm>>
    %dma_wait3A_68 = tpu.memref_slice %arg2[%add3A_39] : memref<196608xi32, #tpu.memory_space<hbm>> -> memref<512xi32, #tpu.memory_space<hbm>>
    tpu.wait_dma2 semaphore(%arg45 : memref<!tpu.dma_semaphore, #tpu.memory_space<semaphore_mem>>) src(%dma_wait3A_68 : memref<512xi32, #tpu.memory_space<hbm>>) dst(%arg16 : memref<512xi32, #tpu.memory_space<vmem>>)
    %dma_wait3A_69 = tpu.memref_slice %arg2[%add3A_43] : memref<196608xi32, #tpu.memory_space<hbm>> -> memref<512xi32, #tpu.memory_space<hbm>>
    %dma_wait3A_70 = tpu.memref_slice %arg2[%add3A_43] : memref<196608xi32, #tpu.memory_space<hbm>> -> memref<512xi32, #tpu.memory_space<hbm>>
    tpu.wait_dma2 semaphore(%arg45 : memref<!tpu.dma_semaphore, #tpu.memory_space<semaphore_mem>>) src(%dma_wait3A_70 : memref<512xi32, #tpu.memory_space<hbm>>) dst(%arg17 : memref<512xi32, #tpu.memory_space<vmem>>)
    %dma_wait3A_71 = tpu.memref_slice %arg2[%add3A_47] : memref<196608xi32, #tpu.memory_space<hbm>> -> memref<512xi32, #tpu.memory_space<hbm>>
    %dma_wait3A_72 = tpu.memref_slice %arg2[%add3A_47] : memref<196608xi32, #tpu.memory_space<hbm>> -> memref<512xi32, #tpu.memory_space<hbm>>
    tpu.wait_dma2 semaphore(%arg45 : memref<!tpu.dma_semaphore, #tpu.memory_space<semaphore_mem>>) src(%dma_wait3A_72 : memref<512xi32, #tpu.memory_space<hbm>>) dst(%arg18 : memref<512xi32, #tpu.memory_space<vmem>>)
    %dma_start3A_73 = arith.constant 0 : i32
    %dma_start3A_74 = tpu.memref_slice %arg7[%dma_start3A_73] : memref<512xi32, #tpu.memory_space<vmem>> -> memref<32xi32, #tpu.memory_space<vmem>>
    %dma_start3A_75 = arith.constant 0 : i32
    %dma_start3A_76 = arith.constant 0 : i32
    %dma_start3A_77 = tpu.memref_slice %arg3[%dma_start3A_75, %dma_start3A_76] : memref<100001x128xf32, #tpu.memory_space<hbm>> -> memref<100001x128xf32, #tpu.memory_space<hbm>>
    tpu.enqueue_indirect_dma source(%dma_start3A_77 : memref<100001x128xf32, #tpu.memory_space<hbm>>) target(%arg19 : memref<32x128xf32, #tpu.memory_space<vmem>>) offsets(%dma_start3A_74 : memref<32xi32, #tpu.memory_space<vmem>>) semaphore(%arg45 : memref<!tpu.dma_semaphore, #tpu.memory_space<semaphore_mem>>)
    %dma_start3A_78 = arith.constant 0 : i32
    %dma_start3A_79 = tpu.memref_slice %arg8[%dma_start3A_78] : memref<512xi32, #tpu.memory_space<vmem>> -> memref<32xi32, #tpu.memory_space<vmem>>
    %dma_start3A_80 = arith.constant 0 : i32
    %dma_start3A_81 = arith.constant 0 : i32
    %dma_start3A_82 = tpu.memref_slice %arg3[%dma_start3A_80, %dma_start3A_81] : memref<100001x128xf32, #tpu.memory_space<hbm>> -> memref<100001x128xf32, #tpu.memory_space<hbm>>
    tpu.enqueue_indirect_dma source(%dma_start3A_82 : memref<100001x128xf32, #tpu.memory_space<hbm>>) target(%arg21 : memref<32x128xf32, #tpu.memory_space<vmem>>) offsets(%dma_start3A_79 : memref<32xi32, #tpu.memory_space<vmem>>) semaphore(%arg45 : memref<!tpu.dma_semaphore, #tpu.memory_space<semaphore_mem>>)
    %dma_start3A_83 = arith.constant 0 : i32
    %dma_start3A_84 = tpu.memref_slice %arg9[%dma_start3A_83] : memref<512xi32, #tpu.memory_space<vmem>> -> memref<32xi32, #tpu.memory_space<vmem>>
    %dma_start3A_85 = arith.constant 0 : i32
    %dma_start3A_86 = arith.constant 0 : i32
    %dma_start3A_87 = tpu.memref_slice %arg3[%dma_start3A_85, %dma_start3A_86] : memref<100001x128xf32, #tpu.memory_space<hbm>> -> memref<100001x128xf32, #tpu.memory_space<hbm>>
    tpu.enqueue_indirect_dma source(%dma_start3A_87 : memref<100001x128xf32, #tpu.memory_space<hbm>>) target(%arg23 : memref<32x128xf32, #tpu.memory_space<vmem>>) offsets(%dma_start3A_84 : memref<32xi32, #tpu.memory_space<vmem>>) semaphore(%arg45 : memref<!tpu.dma_semaphore, #tpu.memory_space<semaphore_mem>>)
    %dma_start3A_88 = arith.constant 0 : i32
    %dma_start3A_89 = tpu.memref_slice %arg10[%dma_start3A_88] : memref<512xi32, #tpu.memory_space<vmem>> -> memref<32xi32, #tpu.memory_space<vmem>>
    %dma_start3A_90 = arith.constant 0 : i32
    %dma_start3A_91 = arith.constant 0 : i32
    %dma_start3A_92 = tpu.memref_slice %arg3[%dma_start3A_90, %dma_start3A_91] : memref<100001x128xf32, #tpu.memory_space<hbm>> -> memref<100001x128xf32, #tpu.memory_space<hbm>>
    tpu.enqueue_indirect_dma source(%dma_start3A_92 : memref<100001x128xf32, #tpu.memory_space<hbm>>) target(%arg25 : memref<32x128xf32, #tpu.memory_space<vmem>>) offsets(%dma_start3A_89 : memref<32xi32, #tpu.memory_space<vmem>>) semaphore(%arg45 : memref<!tpu.dma_semaphore, #tpu.memory_space<semaphore_mem>>)
    %dma_start3A_93 = arith.constant 0 : i32
    %dma_start3A_94 = tpu.memref_slice %arg11[%dma_start3A_93] : memref<512xi32, #tpu.memory_space<vmem>> -> memref<32xi32, #tpu.memory_space<vmem>>
    %dma_start3A_95 = arith.constant 0 : i32
    %dma_start3A_96 = arith.constant 0 : i32
    %dma_start3A_97 = tpu.memref_slice %arg3[%dma_start3A_95, %dma_start3A_96] : memref<100001x128xf32, #tpu.memory_space<hbm>> -> memref<100001x128xf32, #tpu.memory_space<hbm>>
    tpu.enqueue_indirect_dma source(%dma_start3A_97 : memref<100001x128xf32, #tpu.memory_space<hbm>>) target(%arg27 : memref<32x128xf32, #tpu.memory_space<vmem>>) offsets(%dma_start3A_94 : memref<32xi32, #tpu.memory_space<vmem>>) semaphore(%arg45 : memref<!tpu.dma_semaphore, #tpu.memory_space<semaphore_mem>>)
    %dma_start3A_98 = arith.constant 0 : i32
    %dma_start3A_99 = tpu.memref_slice %arg12[%dma_start3A_98] : memref<512xi32, #tpu.memory_space<vmem>> -> memref<32xi32, #tpu.memory_space<vmem>>
    %dma_start3A_100 = arith.constant 0 : i32
    %dma_start3A_101 = arith.constant 0 : i32
    %dma_start3A_102 = tpu.memref_slice %arg3[%dma_start3A_100, %dma_start3A_101] : memref<100001x128xf32, #tpu.memory_space<hbm>> -> memref<100001x128xf32, #tpu.memory_space<hbm>>
    tpu.enqueue_indirect_dma source(%dma_start3A_102 : memref<100001x128xf32, #tpu.memory_space<hbm>>) target(%arg29 : memref<32x128xf32, #tpu.memory_space<vmem>>) offsets(%dma_start3A_99 : memref<32xi32, #tpu.memory_space<vmem>>) semaphore(%arg45 : memref<!tpu.dma_semaphore, #tpu.memory_space<semaphore_mem>>)
    %dma_start3A_103 = arith.constant 0 : i32
    %dma_start3A_104 = tpu.memref_slice %arg13[%dma_start3A_103] : memref<512xi32, #tpu.memory_space<vmem>> -> memref<32xi32, #tpu.memory_space<vmem>>
    %dma_start3A_105 = arith.constant 0 : i32
    %dma_start3A_106 = arith.constant 0 : i32
    %dma_start3A_107 = tpu.memref_slice %arg3[%dma_start3A_105, %dma_start3A_106] : memref<100001x128xf32, #tpu.memory_space<hbm>> -> memref<100001x128xf32, #tpu.memory_space<hbm>>
    tpu.enqueue_indirect_dma source(%dma_start3A_107 : memref<100001x128xf32, #tpu.memory_space<hbm>>) target(%arg31 : memref<32x128xf32, #tpu.memory_space<vmem>>) offsets(%dma_start3A_104 : memref<32xi32, #tpu.memory_space<vmem>>) semaphore(%arg45 : memref<!tpu.dma_semaphore, #tpu.memory_space<semaphore_mem>>)
    %dma_start3A_108 = arith.constant 0 : i32
    %dma_start3A_109 = tpu.memref_slice %arg14[%dma_start3A_108] : memref<512xi32, #tpu.memory_space<vmem>> -> memref<32xi32, #tpu.memory_space<vmem>>
    %dma_start3A_110 = arith.constant 0 : i32
    %dma_start3A_111 = arith.constant 0 : i32
    %dma_start3A_112 = tpu.memref_slice %arg3[%dma_start3A_110, %dma_start3A_111] : memref<100001x128xf32, #tpu.memory_space<hbm>> -> memref<100001x128xf32, #tpu.memory_space<hbm>>
    tpu.enqueue_indirect_dma source(%dma_start3A_112 : memref<100001x128xf32, #tpu.memory_space<hbm>>) target(%arg33 : memref<32x128xf32, #tpu.memory_space<vmem>>) offsets(%dma_start3A_109 : memref<32xi32, #tpu.memory_space<vmem>>) semaphore(%arg45 : memref<!tpu.dma_semaphore, #tpu.memory_space<semaphore_mem>>)
    %dma_start3A_113 = arith.constant 0 : i32
    %dma_start3A_114 = tpu.memref_slice %arg15[%dma_start3A_113] : memref<512xi32, #tpu.memory_space<vmem>> -> memref<32xi32, #tpu.memory_space<vmem>>
    %dma_start3A_115 = arith.constant 0 : i32
    %dma_start3A_116 = arith.constant 0 : i32
    %dma_start3A_117 = tpu.memref_slice %arg3[%dma_start3A_115, %dma_start3A_116] : memref<100001x128xf32, #tpu.memory_space<hbm>> -> memref<100001x128xf32, #tpu.memory_space<hbm>>
    tpu.enqueue_indirect_dma source(%dma_start3A_117 : memref<100001x128xf32, #tpu.memory_space<hbm>>) target(%arg35 : memref<32x128xf32, #tpu.memory_space<vmem>>) offsets(%dma_start3A_114 : memref<32xi32, #tpu.memory_space<vmem>>) semaphore(%arg45 : memref<!tpu.dma_semaphore, #tpu.memory_space<semaphore_mem>>)
    %dma_start3A_118 = arith.constant 0 : i32
    %dma_start3A_119 = tpu.memref_slice %arg16[%dma_start3A_118] : memref<512xi32, #tpu.memory_space<vmem>> -> memref<32xi32, #tpu.memory_space<vmem>>
    %dma_start3A_120 = arith.constant 0 : i32
    %dma_start3A_121 = arith.constant 0 : i32
    %dma_start3A_122 = tpu.memref_slice %arg3[%dma_start3A_120, %dma_start3A_121] : memref<100001x128xf32, #tpu.memory_space<hbm>> -> memref<100001x128xf32, #tpu.memory_space<hbm>>
    tpu.enqueue_indirect_dma source(%dma_start3A_122 : memref<100001x128xf32, #tpu.memory_space<hbm>>) target(%arg37 : memref<32x128xf32, #tpu.memory_space<vmem>>) offsets(%dma_start3A_119 : memref<32xi32, #tpu.memory_space<vmem>>) semaphore(%arg45 : memref<!tpu.dma_semaphore, #tpu.memory_space<semaphore_mem>>)
    %dma_start3A_123 = arith.constant 0 : i32
    %dma_start3A_124 = tpu.memref_slice %arg17[%dma_start3A_123] : memref<512xi32, #tpu.memory_space<vmem>> -> memref<32xi32, #tpu.memory_space<vmem>>
    %dma_start3A_125 = arith.constant 0 : i32
    %dma_start3A_126 = arith.constant 0 : i32
    %dma_start3A_127 = tpu.memref_slice %arg3[%dma_start3A_125, %dma_start3A_126] : memref<100001x128xf32, #tpu.memory_space<hbm>> -> memref<100001x128xf32, #tpu.memory_space<hbm>>
    tpu.enqueue_indirect_dma source(%dma_start3A_127 : memref<100001x128xf32, #tpu.memory_space<hbm>>) target(%arg39 : memref<32x128xf32, #tpu.memory_space<vmem>>) offsets(%dma_start3A_124 : memref<32xi32, #tpu.memory_space<vmem>>) semaphore(%arg45 : memref<!tpu.dma_semaphore, #tpu.memory_space<semaphore_mem>>)
    %dma_start3A_128 = arith.constant 0 : i32
    %dma_start3A_129 = tpu.memref_slice %arg18[%dma_start3A_128] : memref<512xi32, #tpu.memory_space<vmem>> -> memref<32xi32, #tpu.memory_space<vmem>>
    %dma_start3A_130 = arith.constant 0 : i32
    %dma_start3A_131 = arith.constant 0 : i32
    %dma_start3A_132 = tpu.memref_slice %arg3[%dma_start3A_130, %dma_start3A_131] : memref<100001x128xf32, #tpu.memory_space<hbm>> -> memref<100001x128xf32, #tpu.memory_space<hbm>>
    tpu.enqueue_indirect_dma source(%dma_start3A_132 : memref<100001x128xf32, #tpu.memory_space<hbm>>) target(%arg41 : memref<32x128xf32, #tpu.memory_space<vmem>>) offsets(%dma_start3A_129 : memref<32xi32, #tpu.memory_space<vmem>>) semaphore(%arg45 : memref<!tpu.dma_semaphore, #tpu.memory_space<semaphore_mem>>)
    %dma_start3A_133 = arith.constant 32 : i32
    %dma_start3A_134 = tpu.memref_slice %arg7[%dma_start3A_133] : memref<512xi32, #tpu.memory_space<vmem>> -> memref<32xi32, #tpu.memory_space<vmem>>
    %dma_start3A_135 = arith.constant 0 : i32
    %dma_start3A_136 = arith.constant 0 : i32
    %dma_start3A_137 = tpu.memref_slice %arg3[%dma_start3A_135, %dma_start3A_136] : memref<100001x128xf32, #tpu.memory_space<hbm>> -> memref<100001x128xf32, #tpu.memory_space<hbm>>
    tpu.enqueue_indirect_dma source(%dma_start3A_137 : memref<100001x128xf32, #tpu.memory_space<hbm>>) target(%arg20 : memref<32x128xf32, #tpu.memory_space<vmem>>) offsets(%dma_start3A_134 : memref<32xi32, #tpu.memory_space<vmem>>) semaphore(%arg46 : memref<!tpu.dma_semaphore, #tpu.memory_space<semaphore_mem>>)
    %dma_start3A_138 = arith.constant 32 : i32
    %dma_start3A_139 = tpu.memref_slice %arg8[%dma_start3A_138] : memref<512xi32, #tpu.memory_space<vmem>> -> memref<32xi32, #tpu.memory_space<vmem>>
    %dma_start3A_140 = arith.constant 0 : i32
    %dma_start3A_141 = arith.constant 0 : i32
    %dma_start3A_142 = tpu.memref_slice %arg3[%dma_start3A_140, %dma_start3A_141] : memref<100001x128xf32, #tpu.memory_space<hbm>> -> memref<100001x128xf32, #tpu.memory_space<hbm>>
    tpu.enqueue_indirect_dma source(%dma_start3A_142 : memref<100001x128xf32, #tpu.memory_space<hbm>>) target(%arg22 : memref<32x128xf32, #tpu.memory_space<vmem>>) offsets(%dma_start3A_139 : memref<32xi32, #tpu.memory_space<vmem>>) semaphore(%arg46 : memref<!tpu.dma_semaphore, #tpu.memory_space<semaphore_mem>>)
    %dma_start3A_143 = arith.constant 32 : i32
    %dma_start3A_144 = tpu.memref_slice %arg9[%dma_start3A_143] : memref<512xi32, #tpu.memory_space<vmem>> -> memref<32xi32, #tpu.memory_space<vmem>>
    %dma_start3A_145 = arith.constant 0 : i32
    %dma_start3A_146 = arith.constant 0 : i32
    %dma_start3A_147 = tpu.memref_slice %arg3[%dma_start3A_145, %dma_start3A_146] : memref<100001x128xf32, #tpu.memory_space<hbm>> -> memref<100001x128xf32, #tpu.memory_space<hbm>>
    tpu.enqueue_indirect_dma source(%dma_start3A_147 : memref<100001x128xf32, #tpu.memory_space<hbm>>) target(%arg24 : memref<32x128xf32, #tpu.memory_space<vmem>>) offsets(%dma_start3A_144 : memref<32xi32, #tpu.memory_space<vmem>>) semaphore(%arg46 : memref<!tpu.dma_semaphore, #tpu.memory_space<semaphore_mem>>)
    %dma_start3A_148 = arith.constant 32 : i32
    %dma_start3A_149 = tpu.memref_slice %arg10[%dma_start3A_148] : memref<512xi32, #tpu.memory_space<vmem>> -> memref<32xi32, #tpu.memory_space<vmem>>
    %dma_start3A_150 = arith.constant 0 : i32
    %dma_start3A_151 = arith.constant 0 : i32
    %dma_start3A_152 = tpu.memref_slice %arg3[%dma_start3A_150, %dma_start3A_151] : memref<100001x128xf32, #tpu.memory_space<hbm>> -> memref<100001x128xf32, #tpu.memory_space<hbm>>
    tpu.enqueue_indirect_dma source(%dma_start3A_152 : memref<100001x128xf32, #tpu.memory_space<hbm>>) target(%arg26 : memref<32x128xf32, #tpu.memory_space<vmem>>) offsets(%dma_start3A_149 : memref<32xi32, #tpu.memory_space<vmem>>) semaphore(%arg46 : memref<!tpu.dma_semaphore, #tpu.memory_space<semaphore_mem>>)
    %dma_start3A_153 = arith.constant 32 : i32
    %dma_start3A_154 = tpu.memref_slice %arg11[%dma_start3A_153] : memref<512xi32, #tpu.memory_space<vmem>> -> memref<32xi32, #tpu.memory_space<vmem>>
    %dma_start3A_155 = arith.constant 0 : i32
    %dma_start3A_156 = arith.constant 0 : i32
    %dma_start3A_157 = tpu.memref_slice %arg3[%dma_start3A_155, %dma_start3A_156] : memref<100001x128xf32, #tpu.memory_space<hbm>> -> memref<100001x128xf32, #tpu.memory_space<hbm>>
    tpu.enqueue_indirect_dma source(%dma_start3A_157 : memref<100001x128xf32, #tpu.memory_space<hbm>>) target(%arg28 : memref<32x128xf32, #tpu.memory_space<vmem>>) offsets(%dma_start3A_154 : memref<32xi32, #tpu.memory_space<vmem>>) semaphore(%arg46 : memref<!tpu.dma_semaphore, #tpu.memory_space<semaphore_mem>>)
    %dma_start3A_158 = arith.constant 32 : i32
    %dma_start3A_159 = tpu.memref_slice %arg12[%dma_start3A_158] : memref<512xi32, #tpu.memory_space<vmem>> -> memref<32xi32, #tpu.memory_space<vmem>>
    %dma_start3A_160 = arith.constant 0 : i32
    %dma_start3A_161 = arith.constant 0 : i32
    %dma_start3A_162 = tpu.memref_slice %arg3[%dma_start3A_160, %dma_start3A_161] : memref<100001x128xf32, #tpu.memory_space<hbm>> -> memref<100001x128xf32, #tpu.memory_space<hbm>>
    tpu.enqueue_indirect_dma source(%dma_start3A_162 : memref<100001x128xf32, #tpu.memory_space<hbm>>) target(%arg30 : memref<32x128xf32, #tpu.memory_space<vmem>>) offsets(%dma_start3A_159 : memref<32xi32, #tpu.memory_space<vmem>>) semaphore(%arg46 : memref<!tpu.dma_semaphore, #tpu.memory_space<semaphore_mem>>)
    %dma_start3A_163 = arith.constant 32 : i32
    %dma_start3A_164 = tpu.memref_slice %arg13[%dma_start3A_163] : memref<512xi32, #tpu.memory_space<vmem>> -> memref<32xi32, #tpu.memory_space<vmem>>
    %dma_start3A_165 = arith.constant 0 : i32
    %dma_start3A_166 = arith.constant 0 : i32
    %dma_start3A_167 = tpu.memref_slice %arg3[%dma_start3A_165, %dma_start3A_166] : memref<100001x128xf32, #tpu.memory_space<hbm>> -> memref<100001x128xf32, #tpu.memory_space<hbm>>
    tpu.enqueue_indirect_dma source(%dma_start3A_167 : memref<100001x128xf32, #tpu.memory_space<hbm>>) target(%arg32 : memref<32x128xf32, #tpu.memory_space<vmem>>) offsets(%dma_start3A_164 : memref<32xi32, #tpu.memory_space<vmem>>) semaphore(%arg46 : memref<!tpu.dma_semaphore, #tpu.memory_space<semaphore_mem>>)
    %dma_start3A_168 = arith.constant 32 : i32
    %dma_start3A_169 = tpu.memref_slice %arg14[%dma_start3A_168] : memref<512xi32, #tpu.memory_space<vmem>> -> memref<32xi32, #tpu.memory_space<vmem>>
    %dma_start3A_170 = arith.constant 0 : i32
    %dma_start3A_171 = arith.constant 0 : i32
    %dma_start3A_172 = tpu.memref_slice %arg3[%dma_start3A_170, %dma_start3A_171] : memref<100001x128xf32, #tpu.memory_space<hbm>> -> memref<100001x128xf32, #tpu.memory_space<hbm>>
    tpu.enqueue_indirect_dma source(%dma_start3A_172 : memref<100001x128xf32, #tpu.memory_space<hbm>>) target(%arg34 : memref<32x128xf32, #tpu.memory_space<vmem>>) offsets(%dma_start3A_169 : memref<32xi32, #tpu.memory_space<vmem>>) semaphore(%arg46 : memref<!tpu.dma_semaphore, #tpu.memory_space<semaphore_mem>>)
    %dma_start3A_173 = arith.constant 32 : i32
    %dma_start3A_174 = tpu.memref_slice %arg15[%dma_start3A_173] : memref<512xi32, #tpu.memory_space<vmem>> -> memref<32xi32, #tpu.memory_space<vmem>>
    %dma_start3A_175 = arith.constant 0 : i32
    %dma_start3A_176 = arith.constant 0 : i32
    %dma_start3A_177 = tpu.memref_slice %arg3[%dma_start3A_175, %dma_start3A_176] : memref<100001x128xf32, #tpu.memory_space<hbm>> -> memref<100001x128xf32, #tpu.memory_space<hbm>>
    tpu.enqueue_indirect_dma source(%dma_start3A_177 : memref<100001x128xf32, #tpu.memory_space<hbm>>) target(%arg36 : memref<32x128xf32, #tpu.memory_space<vmem>>) offsets(%dma_start3A_174 : memref<32xi32, #tpu.memory_space<vmem>>) semaphore(%arg46 : memref<!tpu.dma_semaphore, #tpu.memory_space<semaphore_mem>>)
    %dma_start3A_178 = arith.constant 32 : i32
    %dma_start3A_179 = tpu.memref_slice %arg16[%dma_start3A_178] : memref<512xi32, #tpu.memory_space<vmem>> -> memref<32xi32, #tpu.memory_space<vmem>>
    %dma_start3A_180 = arith.constant 0 : i32
    %dma_start3A_181 = arith.constant 0 : i32
    %dma_start3A_182 = tpu.memref_slice %arg3[%dma_start3A_180, %dma_start3A_181] : memref<100001x128xf32, #tpu.memory_space<hbm>> -> memref<100001x128xf32, #tpu.memory_space<hbm>>
    tpu.enqueue_indirect_dma source(%dma_start3A_182 : memref<100001x128xf32, #tpu.memory_space<hbm>>) target(%arg38 : memref<32x128xf32, #tpu.memory_space<vmem>>) offsets(%dma_start3A_179 : memref<32xi32, #tpu.memory_space<vmem>>) semaphore(%arg46 : memref<!tpu.dma_semaphore, #tpu.memory_space<semaphore_mem>>)
    %dma_start3A_183 = arith.constant 32 : i32
    %dma_start3A_184 = tpu.memref_slice %arg17[%dma_start3A_183] : memref<512xi32, #tpu.memory_space<vmem>> -> memref<32xi32, #tpu.memory_space<vmem>>
    %dma_start3A_185 = arith.constant 0 : i32
    %dma_start3A_186 = arith.constant 0 : i32
    %dma_start3A_187 = tpu.memref_slice %arg3[%dma_start3A_185, %dma_start3A_186] : memref<100001x128xf32, #tpu.memory_space<hbm>> -> memref<100001x128xf32, #tpu.memory_space<hbm>>
    tpu.enqueue_indirect_dma source(%dma_start3A_187 : memref<100001x128xf32, #tpu.memory_space<hbm>>) target(%arg40 : memref<32x128xf32, #tpu.memory_space<vmem>>) offsets(%dma_start3A_184 : memref<32xi32, #tpu.memory_space<vmem>>) semaphore(%arg46 : memref<!tpu.dma_semaphore, #tpu.memory_space<semaphore_mem>>)
    %dma_start3A_188 = arith.constant 32 : i32
    %dma_start3A_189 = tpu.memref_slice %arg18[%dma_start3A_188] : memref<512xi32, #tpu.memory_space<vmem>> -> memref<32xi32, #tpu.memory_space<vmem>>
    %dma_start3A_190 = arith.constant 0 : i32
    %dma_start3A_191 = arith.constant 0 : i32
    %dma_start3A_192 = tpu.memref_slice %arg3[%dma_start3A_190, %dma_start3A_191] : memref<100001x128xf32, #tpu.memory_space<hbm>> -> memref<100001x128xf32, #tpu.memory_space<hbm>>
    tpu.enqueue_indirect_dma source(%dma_start3A_192 : memref<100001x128xf32, #tpu.memory_space<hbm>>) target(%arg42 : memref<32x128xf32, #tpu.memory_space<vmem>>) offsets(%dma_start3A_189 : memref<32xi32, #tpu.memory_space<vmem>>) semaphore(%arg46 : memref<!tpu.dma_semaphore, #tpu.memory_space<semaphore_mem>>)
    %scan3A = arith.constant 0 : i32
    %scan3A_193 = arith.constant 0 : i32
    %scan3A_194 = arith.constant 8 : i32
    %scan3A_195 = arith.addi %scan3A_193, %scan3A_194 : i32
    %scan3A_196 = arith.constant 1 : i32
    scf.for %scan3A_222 = %scan3A_193 to %scan3A_195 step %scan3A_196  : i32 {
      %mul3A_223 = arith.constant 2 : i32
      %mul3A_224 = arith.muli %scan3A_222, %mul3A_223 : i32
      %add3A_225 = arith.constant 0 : i32
      %add3A_226 = arith.addi %mul3A_224, %add3A_225 : i32
      %mul3A_227 = arith.constant 32 : i32
      %mul3A_228 = arith.muli %add3A_226, %mul3A_227 : i32
      %add3A_229 = arith.addi %mul3A_2, %mul3A_228 : i32
      %dma_wait3A_230 = arith.constant 0 : i32
      %dma_wait3A_231 = arith.constant 0 : i32
      %dma_wait3A_232 = tpu.memref_slice %arg3[%dma_wait3A_230, %dma_wait3A_231] : memref<100001x128xf32, #tpu.memory_space<hbm>> -> memref<32x128xf32, #tpu.memory_space<hbm>>
      %dma_wait3A_233 = arith.constant 0 : i32
      %dma_wait3A_234 = arith.constant 0 : i32
      %dma_wait3A_235 = tpu.memref_slice %arg3[%dma_wait3A_233, %dma_wait3A_234] : memref<100001x128xf32, #tpu.memory_space<hbm>> -> memref<32x128xf32, #tpu.memory_space<hbm>>
      tpu.wait_dma2 semaphore(%arg45 : memref<!tpu.dma_semaphore, #tpu.memory_space<semaphore_mem>>) src(%dma_wait3A_235 : memref<32x128xf32, #tpu.memory_space<hbm>>) dst(%arg19 : memref<32x128xf32, #tpu.memory_space<vmem>>)
      %dma_wait3A_236 = arith.constant 0 : i32
      %dma_wait3A_237 = arith.constant 0 : i32
      %dma_wait3A_238 = tpu.memref_slice %arg3[%dma_wait3A_236, %dma_wait3A_237] : memref<100001x128xf32, #tpu.memory_space<hbm>> -> memref<32x128xf32, #tpu.memory_space<hbm>>
      %dma_wait3A_239 = arith.constant 0 : i32
      %dma_wait3A_240 = arith.constant 0 : i32
      %dma_wait3A_241 = tpu.memref_slice %arg3[%dma_wait3A_239, %dma_wait3A_240] : memref<100001x128xf32, #tpu.memory_space<hbm>> -> memref<32x128xf32, #tpu.memory_space<hbm>>
      tpu.wait_dma2 semaphore(%arg45 : memref<!tpu.dma_semaphore, #tpu.memory_space<semaphore_mem>>) src(%dma_wait3A_241 : memref<32x128xf32, #tpu.memory_space<hbm>>) dst(%arg21 : memref<32x128xf32, #tpu.memory_space<vmem>>)
      %dma_wait3A_242 = arith.constant 0 : i32
      %dma_wait3A_243 = arith.constant 0 : i32
      %dma_wait3A_244 = tpu.memref_slice %arg3[%dma_wait3A_242, %dma_wait3A_243] : memref<100001x128xf32, #tpu.memory_space<hbm>> -> memref<32x128xf32, #tpu.memory_space<hbm>>
      %dma_wait3A_245 = arith.constant 0 : i32
      %dma_wait3A_246 = arith.constant 0 : i32
      %dma_wait3A_247 = tpu.memref_slice %arg3[%dma_wait3A_245, %dma_wait3A_246] : memref<100001x128xf32, #tpu.memory_space<hbm>> -> memref<32x128xf32, #tpu.memory_space<hbm>>
      tpu.wait_dma2 semaphore(%arg45 : memref<!tpu.dma_semaphore, #tpu.memory_space<semaphore_mem>>) src(%dma_wait3A_247 : memref<32x128xf32, #tpu.memory_space<hbm>>) dst(%arg23 : memref<32x128xf32, #tpu.memory_space<vmem>>)
      %dma_wait3A_248 = arith.constant 0 : i32
      %dma_wait3A_249 = arith.constant 0 : i32
      %dma_wait3A_250 = tpu.memref_slice %arg3[%dma_wait3A_248, %dma_wait3A_249] : memref<100001x128xf32, #tpu.memory_space<hbm>> -> memref<32x128xf32, #tpu.memory_space<hbm>>
      %dma_wait3A_251 = arith.constant 0 : i32
      %dma_wait3A_252 = arith.constant 0 : i32
      %dma_wait3A_253 = tpu.memref_slice %arg3[%dma_wait3A_251, %dma_wait3A_252] : memref<100001x128xf32, #tpu.memory_space<hbm>> -> memref<32x128xf32, #tpu.memory_space<hbm>>
      tpu.wait_dma2 semaphore(%arg45 : memref<!tpu.dma_semaphore, #tpu.memory_space<semaphore_mem>>) src(%dma_wait3A_253 : memref<32x128xf32, #tpu.memory_space<hbm>>) dst(%arg25 : memref<32x128xf32, #tpu.memory_space<vmem>>)
      %dma_wait3A_254 = arith.constant 0 : i32
      %dma_wait3A_255 = arith.constant 0 : i32
      %dma_wait3A_256 = tpu.memref_slice %arg3[%dma_wait3A_254, %dma_wait3A_255] : memref<100001x128xf32, #tpu.memory_space<hbm>> -> memref<32x128xf32, #tpu.memory_space<hbm>>
      %dma_wait3A_257 = arith.constant 0 : i32
      %dma_wait3A_258 = arith.constant 0 : i32
      %dma_wait3A_259 = tpu.memref_slice %arg3[%dma_wait3A_257, %dma_wait3A_258] : memref<100001x128xf32, #tpu.memory_space<hbm>> -> memref<32x128xf32, #tpu.memory_space<hbm>>
      tpu.wait_dma2 semaphore(%arg45 : memref<!tpu.dma_semaphore, #tpu.memory_space<semaphore_mem>>) src(%dma_wait3A_259 : memref<32x128xf32, #tpu.memory_space<hbm>>) dst(%arg27 : memref<32x128xf32, #tpu.memory_space<vmem>>)
      %dma_wait3A_260 = arith.constant 0 : i32
      %dma_wait3A_261 = arith.constant 0 : i32
      %dma_wait3A_262 = tpu.memref_slice %arg3[%dma_wait3A_260, %dma_wait3A_261] : memref<100001x128xf32, #tpu.memory_space<hbm>> -> memref<32x128xf32, #tpu.memory_space<hbm>>
      %dma_wait3A_263 = arith.constant 0 : i32
      %dma_wait3A_264 = arith.constant 0 : i32
      %dma_wait3A_265 = tpu.memref_slice %arg3[%dma_wait3A_263, %dma_wait3A_264] : memref<100001x128xf32, #tpu.memory_space<hbm>> -> memref<32x128xf32, #tpu.memory_space<hbm>>
      tpu.wait_dma2 semaphore(%arg45 : memref<!tpu.dma_semaphore, #tpu.memory_space<semaphore_mem>>) src(%dma_wait3A_265 : memref<32x128xf32, #tpu.memory_space<hbm>>) dst(%arg29 : memref<32x128xf32, #tpu.memory_space<vmem>>)
      %dma_wait3A_266 = arith.constant 0 : i32
      %dma_wait3A_267 = arith.constant 0 : i32
      %dma_wait3A_268 = tpu.memref_slice %arg3[%dma_wait3A_266, %dma_wait3A_267] : memref<100001x128xf32, #tpu.memory_space<hbm>> -> memref<32x128xf32, #tpu.memory_space<hbm>>
      %dma_wait3A_269 = arith.constant 0 : i32
      %dma_wait3A_270 = arith.constant 0 : i32
      %dma_wait3A_271 = tpu.memref_slice %arg3[%dma_wait3A_269, %dma_wait3A_270] : memref<100001x128xf32, #tpu.memory_space<hbm>> -> memref<32x128xf32, #tpu.memory_space<hbm>>
      tpu.wait_dma2 semaphore(%arg45 : memref<!tpu.dma_semaphore, #tpu.memory_space<semaphore_mem>>) src(%dma_wait3A_271 : memref<32x128xf32, #tpu.memory_space<hbm>>) dst(%arg31 : memref<32x128xf32, #tpu.memory_space<vmem>>)
      %dma_wait3A_272 = arith.constant 0 : i32
      %dma_wait3A_273 = arith.constant 0 : i32
      %dma_wait3A_274 = tpu.memref_slice %arg3[%dma_wait3A_272, %dma_wait3A_273] : memref<100001x128xf32, #tpu.memory_space<hbm>> -> memref<32x128xf32, #tpu.memory_space<hbm>>
      %dma_wait3A_275 = arith.constant 0 : i32
      %dma_wait3A_276 = arith.constant 0 : i32
      %dma_wait3A_277 = tpu.memref_slice %arg3[%dma_wait3A_275, %dma_wait3A_276] : memref<100001x128xf32, #tpu.memory_space<hbm>> -> memref<32x128xf32, #tpu.memory_space<hbm>>
      tpu.wait_dma2 semaphore(%arg45 : memref<!tpu.dma_semaphore, #tpu.memory_space<semaphore_mem>>) src(%dma_wait3A_277 : memref<32x128xf32, #tpu.memory_space<hbm>>) dst(%arg33 : memref<32x128xf32, #tpu.memory_space<vmem>>)
      %dma_wait3A_278 = arith.constant 0 : i32
      %dma_wait3A_279 = arith.constant 0 : i32
      %dma_wait3A_280 = tpu.memref_slice %arg3[%dma_wait3A_278, %dma_wait3A_279] : memref<100001x128xf32, #tpu.memory_space<hbm>> -> memref<32x128xf32, #tpu.memory_space<hbm>>
      %dma_wait3A_281 = arith.constant 0 : i32
      %dma_wait3A_282 = arith.constant 0 : i32
      %dma_wait3A_283 = tpu.memref_slice %arg3[%dma_wait3A_281, %dma_wait3A_282] : memref<100001x128xf32, #tpu.memory_space<hbm>> -> memref<32x128xf32, #tpu.memory_space<hbm>>
      tpu.wait_dma2 semaphore(%arg45 : memref<!tpu.dma_semaphore, #tpu.memory_space<semaphore_mem>>) src(%dma_wait3A_283 : memref<32x128xf32, #tpu.memory_space<hbm>>) dst(%arg35 : memref<32x128xf32, #tpu.memory_space<vmem>>)
      %dma_wait3A_284 = arith.constant 0 : i32
      %dma_wait3A_285 = arith.constant 0 : i32
      %dma_wait3A_286 = tpu.memref_slice %arg3[%dma_wait3A_284, %dma_wait3A_285] : memref<100001x128xf32, #tpu.memory_space<hbm>> -> memref<32x128xf32, #tpu.memory_space<hbm>>
      %dma_wait3A_287 = arith.constant 0 : i32
      %dma_wait3A_288 = arith.constant 0 : i32
      %dma_wait3A_289 = tpu.memref_slice %arg3[%dma_wait3A_287, %dma_wait3A_288] : memref<100001x128xf32, #tpu.memory_space<hbm>> -> memref<32x128xf32, #tpu.memory_space<hbm>>
      tpu.wait_dma2 semaphore(%arg45 : memref<!tpu.dma_semaphore, #tpu.memory_space<semaphore_mem>>) src(%dma_wait3A_289 : memref<32x128xf32, #tpu.memory_space<hbm>>) dst(%arg37 : memref<32x128xf32, #tpu.memory_space<vmem>>)
      %dma_wait3A_290 = arith.constant 0 : i32
      %dma_wait3A_291 = arith.constant 0 : i32
      %dma_wait3A_292 = tpu.memref_slice %arg3[%dma_wait3A_290, %dma_wait3A_291] : memref<100001x128xf32, #tpu.memory_space<hbm>> -> memref<32x128xf32, #tpu.memory_space<hbm>>
      %dma_wait3A_293 = arith.constant 0 : i32
      %dma_wait3A_294 = arith.constant 0 : i32
      %dma_wait3A_295 = tpu.memref_slice %arg3[%dma_wait3A_293, %dma_wait3A_294] : memref<100001x128xf32, #tpu.memory_space<hbm>> -> memref<32x128xf32, #tpu.memory_space<hbm>>
      tpu.wait_dma2 semaphore(%arg45 : memref<!tpu.dma_semaphore, #tpu.memory_space<semaphore_mem>>) src(%dma_wait3A_295 : memref<32x128xf32, #tpu.memory_space<hbm>>) dst(%arg39 : memref<32x128xf32, #tpu.memory_space<vmem>>)
      %dma_wait3A_296 = arith.constant 0 : i32
      %dma_wait3A_297 = arith.constant 0 : i32
      %dma_wait3A_298 = tpu.memref_slice %arg3[%dma_wait3A_296, %dma_wait3A_297] : memref<100001x128xf32, #tpu.memory_space<hbm>> -> memref<32x128xf32, #tpu.memory_space<hbm>>
      %dma_wait3A_299 = arith.constant 0 : i32
      %dma_wait3A_300 = arith.constant 0 : i32
      %dma_wait3A_301 = tpu.memref_slice %arg3[%dma_wait3A_299, %dma_wait3A_300] : memref<100001x128xf32, #tpu.memory_space<hbm>> -> memref<32x128xf32, #tpu.memory_space<hbm>>
      tpu.wait_dma2 semaphore(%arg45 : memref<!tpu.dma_semaphore, #tpu.memory_space<semaphore_mem>>) src(%dma_wait3A_301 : memref<32x128xf32, #tpu.memory_space<hbm>>) dst(%arg41 : memref<32x128xf32, #tpu.memory_space<vmem>>)
      %dma_start3A_302 = arith.constant 0 : i32
      %dma_start3A_303 = tpu.memref_slice %arg5[%add3A_229, %dma_start3A_302] : memref<16384x128xf32, #tpu.memory_space<hbm>> -> memref<32x128xf32, #tpu.memory_space<hbm>>
      %dma_start3A_304 = arith.constant 0 : i32
      %dma_start3A_305 = tpu.memref_slice %arg5[%add3A_229, %dma_start3A_304] : memref<16384x128xf32, #tpu.memory_space<hbm>> -> memref<32x128xf32, #tpu.memory_space<hbm>>
      tpu.enqueue_dma source(%arg39 : memref<32x128xf32, #tpu.memory_space<vmem>>) target(%dma_start3A_305 : memref<32x128xf32, #tpu.memory_space<hbm>>) target_semaphore(%arg49 : memref<!tpu.dma_semaphore, #tpu.memory_space<semaphore_mem>>)
      %dma_start3A_306 = arith.constant 0 : i32
      %dma_start3A_307 = tpu.memref_slice %arg6[%add3A_229, %dma_start3A_306] : memref<16384x128xf32, #tpu.memory_space<hbm>> -> memref<32x128xf32, #tpu.memory_space<hbm>>
      %dma_start3A_308 = arith.constant 0 : i32
      %dma_start3A_309 = tpu.memref_slice %arg6[%add3A_229, %dma_start3A_308] : memref<16384x128xf32, #tpu.memory_space<hbm>> -> memref<32x128xf32, #tpu.memory_space<hbm>>
      tpu.enqueue_dma source(%arg41 : memref<32x128xf32, #tpu.memory_space<vmem>>) target(%dma_start3A_309 : memref<32x128xf32, #tpu.memory_space<hbm>>) target_semaphore(%arg49 : memref<!tpu.dma_semaphore, #tpu.memory_space<semaphore_mem>>)
      %ge3A = arith.constant 2 : i32
      %ge3A_310 = arith.cmpi sge, %add3A_226, %ge3A : i32
      %convert_element_type3A = arith.extui %ge3A_310 : i1 to i32
      %cond3A = arith.constant 0 : i32
      %cond3A_311 = arith.cmpi ne, %convert_element_type3A, %cond3A : i32
      scf.if %cond3A_311 {
        %dma_wait3A_437 = arith.constant 0 : i32
        %dma_wait3A_438 = tpu.memref_slice %arg4[%mul3A_2, %dma_wait3A_437] : memref<16384x128xf32, #tpu.memory_space<hbm>> -> memref<32x128xf32, #tpu.memory_space<hbm>>
        %dma_wait3A_439 = arith.constant 0 : i32
        %dma_wait3A_440 = tpu.memref_slice %arg4[%mul3A_2, %dma_wait3A_439] : memref<16384x128xf32, #tpu.memory_space<hbm>> -> memref<32x128xf32, #tpu.memory_space<hbm>>
        tpu.wait_dma2 semaphore(%arg47 : memref<!tpu.dma_semaphore, #tpu.memory_space<semaphore_mem>>) src(%arg43 : memref<32x128xf32, #tpu.memory_space<vmem>>) dst(%dma_wait3A_440 : memref<32x128xf32, #tpu.memory_space<hbm>>)
      } else {
      }
      %scan3A_312 = arith.constant 0 : i32
      %scan3A_313 = arith.constant 0 : i32
      %scan3A_314 = arith.constant 32 : i32
      %scan3A_315 = arith.addi %scan3A_313, %scan3A_314 : i32
      %scan3A_316 = arith.constant 1 : i32
      %scan3A_317 = scf.for %scan3A_437 = %scan3A_313 to %scan3A_315 step %scan3A_316 iter_args(%scan3A_438 = %scan3A_312) -> (i32)  : i32 {
        %get3A = arith.index_cast %scan3A_437 : i32 to index
        %get3A_439 = arith.constant 0 : index
        %get3A_440 = tpu.vector_load %arg19[%get3A, %get3A_439] {strides = array<i32>} : memref<32x128xf32, #tpu.memory_space<vmem>>, vector<16xf32>,
        %get3A_441 = arith.index_cast %scan3A_437 : i32 to index
        %get3A_442 = arith.constant 0 : index
        %get3A_443 = tpu.vector_load %arg21[%get3A_441, %get3A_442] {strides = array<i32>} : memref<32x128xf32, #tpu.memory_space<vmem>>, vector<16xf32>,
        %add3A_444 = arith.addf %get3A_440, %get3A_443 : vector<16xf32>
        %get3A_445 = arith.index_cast %scan3A_437 : i32 to index
        %get3A_446 = arith.constant 0 : index
        %get3A_447 = tpu.vector_load %arg23[%get3A_445, %get3A_446] {strides = array<i32>} : memref<32x128xf32, #tpu.memory_space<vmem>>, vector<16xf32>,
        %add3A_448 = arith.addf %add3A_444, %get3A_447 : vector<16xf32>
        %get3A_449 = arith.index_cast %scan3A_437 : i32 to index
        %get3A_450 = arith.constant 0 : index
        %get3A_451 = tpu.vector_load %arg25[%get3A_449, %get3A_450] {strides = array<i32>} : memref<32x128xf32, #tpu.memory_space<vmem>>, vector<16xf32>,
        %add3A_452 = arith.addf %add3A_448, %get3A_451 : vector<16xf32>
        %get3A_453 = arith.index_cast %scan3A_437 : i32 to index
        %get3A_454 = arith.constant 0 : index
        %get3A_455 = tpu.vector_load %arg27[%get3A_453, %get3A_454] {strides = array<i32>} : memref<32x128xf32, #tpu.memory_space<vmem>>, vector<16xf32>,
        %add3A_456 = arith.addf %add3A_452, %get3A_455 : vector<16xf32>
        %swap3A = arith.index_cast %scan3A_437 : i32 to index
        %swap3A_457 = arith.constant 0 : index
        %swap3A_458 = tpu.vector_load %arg43[%swap3A, %swap3A_457] {strides = array<i32>} : memref<32x128xf32, #tpu.memory_space<vmem>>, vector<16xf32>,
        tpu.vector_store %arg43[%swap3A, %swap3A_457], %add3A_456 {strides = array<i32>} : memref<32x128xf32, #tpu.memory_space<vmem>>, vector<16xf32>,
        %get3A_459 = arith.index_cast %scan3A_437 : i32 to index
        %get3A_460 = arith.constant 16 : index
        %get3A_461 = tpu.vector_load %arg19[%get3A_459, %get3A_460] {strides = array<i32>} : memref<32x128xf32, #tpu.memory_space<vmem>>, vector<16xf32>,
        %get3A_462 = arith.index_cast %scan3A_437 : i32 to index
        %get3A_463 = arith.constant 16 : index
        %get3A_464 = tpu.vector_load %arg21[%get3A_462, %get3A_463] {strides = array<i32>} : memref<32x128xf32, #tpu.memory_space<vmem>>, vector<16xf32>,
        %add3A_465 = arith.addf %get3A_461, %get3A_464 : vector<16xf32>
        %get3A_466 = arith.index_cast %scan3A_437 : i32 to index
        %get3A_467 = arith.constant 16 : index
        %get3A_468 = tpu.vector_load %arg23[%get3A_466, %get3A_467] {strides = array<i32>} : memref<32x128xf32, #tpu.memory_space<vmem>>, vector<16xf32>,
        %add3A_469 = arith.addf %add3A_465, %get3A_468 : vector<16xf32>
        %get3A_470 = arith.index_cast %scan3A_437 : i32 to index
        %get3A_471 = arith.constant 16 : index
        %get3A_472 = tpu.vector_load %arg25[%get3A_470, %get3A_471] {strides = array<i32>} : memref<32x128xf32, #tpu.memory_space<vmem>>, vector<16xf32>,
        %add3A_473 = arith.addf %add3A_469, %get3A_472 : vector<16xf32>
        %get3A_474 = arith.index_cast %scan3A_437 : i32 to index
        %get3A_475 = arith.constant 16 : index
        %get3A_476 = tpu.vector_load %arg27[%get3A_474, %get3A_475] {strides = array<i32>} : memref<32x128xf32, #tpu.memory_space<vmem>>, vector<16xf32>,
        %add3A_477 = arith.addf %add3A_473, %get3A_476 : vector<16xf32>
        %swap3A_478 = arith.index_cast %scan3A_437 : i32 to index
        %swap3A_479 = arith.constant 16 : index
        %swap3A_480 = tpu.vector_load %arg43[%swap3A_478, %swap3A_479] {strides = array<i32>} : memref<32x128xf32, #tpu.memory_space<vmem>>, vector<16xf32>,
        tpu.vector_store %arg43[%swap3A_478, %swap3A_479], %add3A_477 {strides = array<i32>} : memref<32x128xf32, #tpu.memory_space<vmem>>, vector<16xf32>,
        %get3A_481 = arith.index_cast %scan3A_437 : i32 to index
        %get3A_482 = arith.constant 32 : index
        %get3A_483 = tpu.vector_load %arg19[%get3A_481, %get3A_482] {strides = array<i32>} : memref<32x128xf32, #tpu.memory_space<vmem>>, vector<16xf32>,
        %get3A_484 = arith.index_cast %scan3A_437 : i32 to index
        %get3A_485 = arith.constant 32 : index
        %get3A_486 = tpu.vector_load %arg21[%get3A_484, %get3A_485] {strides = array<i32>} : memref<32x128xf32, #tpu.memory_space<vmem>>, vector<16xf32>,
        %add3A_487 = arith.addf %get3A_483, %get3A_486 : vector<16xf32>
        %get3A_488 = arith.index_cast %scan3A_437 : i32 to index
        %get3A_489 = arith.constant 32 : index
        %get3A_490 = tpu.vector_load %arg23[%get3A_488, %get3A_489] {strides = array<i32>} : memref<32x128xf32, #tpu.memory_space<vmem>>, vector<16xf32>,
        %add3A_491 = arith.addf %add3A_487, %get3A_490 : vector<16xf32>
        %get3A_492 = arith.index_cast %scan3A_437 : i32 to index
        %get3A_493 = arith.constant 32 : index
        %get3A_494 = tpu.vector_load %arg25[%get3A_492, %get3A_493] {strides = array<i32>} : memref<32x128xf32, #tpu.memory_space<vmem>>, vector<16xf32>,
        %add3A_495 = arith.addf %add3A_491, %get3A_494 : vector<16xf32>
        %get3A_496 = arith.index_cast %scan3A_437 : i32 to index
        %get3A_497 = arith.constant 32 : index
        %get3A_498 = tpu.vector_load %arg27[%get3A_496, %get3A_497] {strides = array<i32>} : memref<32x128xf32, #tpu.memory_space<vmem>>, vector<16xf32>,
        %add3A_499 = arith.addf %add3A_495, %get3A_498 : vector<16xf32>
        %swap3A_500 = arith.index_cast %scan3A_437 : i32 to index
        %swap3A_501 = arith.constant 32 : index
        %swap3A_502 = tpu.vector_load %arg43[%swap3A_500, %swap3A_501] {strides = array<i32>} : memref<32x128xf32, #tpu.memory_space<vmem>>, vector<16xf32>,
        tpu.vector_store %arg43[%swap3A_500, %swap3A_501], %add3A_499 {strides = array<i32>} : memref<32x128xf32, #tpu.memory_space<vmem>>, vector<16xf32>,
        %get3A_503 = arith.index_cast %scan3A_437 : i32 to index
        %get3A_504 = arith.constant 48 : index
        %get3A_505 = tpu.vector_load %arg19[%get3A_503, %get3A_504] {strides = array<i32>} : memref<32x128xf32, #tpu.memory_space<vmem>>, vector<16xf32>,
        %get3A_506 = arith.index_cast %scan3A_437 : i32 to index
        %get3A_507 = arith.constant 48 : index
        %get3A_508 = tpu.vector_load %arg21[%get3A_506, %get3A_507] {strides = array<i32>} : memref<32x128xf32, #tpu.memory_space<vmem>>, vector<16xf32>,
        %add3A_509 = arith.addf %get3A_505, %get3A_508 : vector<16xf32>
        %get3A_510 = arith.index_cast %scan3A_437 : i32 to index
        %get3A_511 = arith.constant 48 : index
        %get3A_512 = tpu.vector_load %arg23[%get3A_510, %get3A_511] {strides = array<i32>} : memref<32x128xf32, #tpu.memory_space<vmem>>, vector<16xf32>,
        %add3A_513 = arith.addf %add3A_509, %get3A_512 : vector<16xf32>
        %get3A_514 = arith.index_cast %scan3A_437 : i32 to index
        %get3A_515 = arith.constant 48 : index
        %get3A_516 = tpu.vector_load %arg25[%get3A_514, %get3A_515] {strides = array<i32>} : memref<32x128xf32, #tpu.memory_space<vmem>>, vector<16xf32>,
        %add3A_517 = arith.addf %add3A_513, %get3A_516 : vector<16xf32>
        %get3A_518 = arith.index_cast %scan3A_437 : i32 to index
        %get3A_519 = arith.constant 48 : index
        %get3A_520 = tpu.vector_load %arg27[%get3A_518, %get3A_519] {strides = array<i32>} : memref<32x128xf32, #tpu.memory_space<vmem>>, vector<16xf32>,
        %add3A_521 = arith.addf %add3A_517, %get3A_520 : vector<16xf32>
        %swap3A_522 = arith.index_cast %scan3A_437 : i32 to index
        %swap3A_523 = arith.constant 48 : index
        %swap3A_524 = tpu.vector_load %arg43[%swap3A_522, %swap3A_523] {strides = array<i32>} : memref<32x128xf32, #tpu.memory_space<vmem>>, vector<16xf32>,
        tpu.vector_store %arg43[%swap3A_522, %swap3A_523], %add3A_521 {strides = array<i32>} : memref<32x128xf32, #tpu.memory_space<vmem>>, vector<16xf32>,
        %get3A_525 = arith.index_cast %scan3A_437 : i32 to index
        %get3A_526 = arith.constant 0 : index
        %get3A_527 = tpu.vector_load %arg29[%get3A_525, %get3A_526] {strides = array<i32>} : memref<32x128xf32, #tpu.memory_space<vmem>>, vector<16xf32>,
        %get3A_528 = arith.index_cast %scan3A_437 : i32 to index
        %get3A_529 = arith.constant 0 : index
        %get3A_530 = tpu.vector_load %arg31[%get3A_528, %get3A_529] {strides = array<i32>} : memref<32x128xf32, #tpu.memory_space<vmem>>, vector<16xf32>,
        %add3A_531 = arith.addf %get3A_527, %get3A_530 : vector<16xf32>
        %get3A_532 = arith.index_cast %scan3A_437 : i32 to index
        %get3A_533 = arith.constant 0 : index
        %get3A_534 = tpu.vector_load %arg33[%get3A_532, %get3A_533] {strides = array<i32>} : memref<32x128xf32, #tpu.memory_space<vmem>>, vector<16xf32>,
        %add3A_535 = arith.addf %add3A_531, %get3A_534 : vector<16xf32>
        %get3A_536 = arith.index_cast %scan3A_437 : i32 to index
        %get3A_537 = arith.constant 0 : index
        %get3A_538 = tpu.vector_load %arg35[%get3A_536, %get3A_537] {strides = array<i32>} : memref<32x128xf32, #tpu.memory_space<vmem>>, vector<16xf32>,
        %add3A_539 = arith.addf %add3A_535, %get3A_538 : vector<16xf32>
        %get3A_540 = arith.index_cast %scan3A_437 : i32 to index
        %get3A_541 = arith.constant 0 : index
        %get3A_542 = tpu.vector_load %arg37[%get3A_540, %get3A_541] {strides = array<i32>} : memref<32x128xf32, #tpu.memory_space<vmem>>, vector<16xf32>,
        %add3A_543 = arith.addf %add3A_539, %get3A_542 : vector<16xf32>
        %swap3A_544 = arith.index_cast %scan3A_437 : i32 to index
        %swap3A_545 = arith.constant 64 : index
        %swap3A_546 = tpu.vector_load %arg43[%swap3A_544, %swap3A_545] {strides = array<i32>} : memref<32x128xf32, #tpu.memory_space<vmem>>, vector<16xf32>,
        tpu.vector_store %arg43[%swap3A_544, %swap3A_545], %add3A_543 {strides = array<i32>} : memref<32x128xf32, #tpu.memory_space<vmem>>, vector<16xf32>,
        %get3A_547 = arith.index_cast %scan3A_437 : i32 to index
        %get3A_548 = arith.constant 16 : index
        %get3A_549 = tpu.vector_load %arg29[%get3A_547, %get3A_548] {strides = array<i32>} : memref<32x128xf32, #tpu.memory_space<vmem>>, vector<16xf32>,
        %get3A_550 = arith.index_cast %scan3A_437 : i32 to index
        %get3A_551 = arith.constant 16 : index
        %get3A_552 = tpu.vector_load %arg31[%get3A_550, %get3A_551] {strides = array<i32>} : memref<32x128xf32, #tpu.memory_space<vmem>>, vector<16xf32>,
        %add3A_553 = arith.addf %get3A_549, %get3A_552 : vector<16xf32>
        %get3A_554 = arith.index_cast %scan3A_437 : i32 to index
        %get3A_555 = arith.constant 16 : index
        %get3A_556 = tpu.vector_load %arg33[%get3A_554, %get3A_555] {strides = array<i32>} : memref<32x128xf32, #tpu.memory_space<vmem>>, vector<16xf32>,
        %add3A_557 = arith.addf %add3A_553, %get3A_556 : vector<16xf32>
        %get3A_558 = arith.index_cast %scan3A_437 : i32 to index
        %get3A_559 = arith.constant 16 : index
        %get3A_560 = tpu.vector_load %arg35[%get3A_558, %get3A_559] {strides = array<i32>} : memref<32x128xf32, #tpu.memory_space<vmem>>, vector<16xf32>,
        %add3A_561 = arith.addf %add3A_557, %get3A_560 : vector<16xf32>
        %get3A_562 = arith.index_cast %scan3A_437 : i32 to index
        %get3A_563 = arith.constant 16 : index
        %get3A_564 = tpu.vector_load %arg37[%get3A_562, %get3A_563] {strides = array<i32>} : memref<32x128xf32, #tpu.memory_space<vmem>>, vector<16xf32>,
        %add3A_565 = arith.addf %add3A_561, %get3A_564 : vector<16xf32>
        %swap3A_566 = arith.index_cast %scan3A_437 : i32 to index
        %swap3A_567 = arith.constant 80 : index
        %swap3A_568 = tpu.vector_load %arg43[%swap3A_566, %swap3A_567] {strides = array<i32>} : memref<32x128xf32, #tpu.memory_space<vmem>>, vector<16xf32>,
        tpu.vector_store %arg43[%swap3A_566, %swap3A_567], %add3A_565 {strides = array<i32>} : memref<32x128xf32, #tpu.memory_space<vmem>>, vector<16xf32>,
        %get3A_569 = arith.index_cast %scan3A_437 : i32 to index
        %get3A_570 = arith.constant 32 : index
        %get3A_571 = tpu.vector_load %arg29[%get3A_569, %get3A_570] {strides = array<i32>} : memref<32x128xf32, #tpu.memory_space<vmem>>, vector<16xf32>,
        %get3A_572 = arith.index_cast %scan3A_437 : i32 to index
        %get3A_573 = arith.constant 32 : index
        %get3A_574 = tpu.vector_load %arg31[%get3A_572, %get3A_573] {strides = array<i32>} : memref<32x128xf32, #tpu.memory_space<vmem>>, vector<16xf32>,
        %add3A_575 = arith.addf %get3A_571, %get3A_574 : vector<16xf32>
        %get3A_576 = arith.index_cast %scan3A_437 : i32 to index
        %get3A_577 = arith.constant 32 : index
        %get3A_578 = tpu.vector_load %arg33[%get3A_576, %get3A_577] {strides = array<i32>} : memref<32x128xf32, #tpu.memory_space<vmem>>, vector<16xf32>,
        %add3A_579 = arith.addf %add3A_575, %get3A_578 : vector<16xf32>
        %get3A_580 = arith.index_cast %scan3A_437 : i32 to index
        %get3A_581 = arith.constant 32 : index
        %get3A_582 = tpu.vector_load %arg35[%get3A_580, %get3A_581] {strides = array<i32>} : memref<32x128xf32, #tpu.memory_space<vmem>>, vector<16xf32>,
        %add3A_583 = arith.addf %add3A_579, %get3A_582 : vector<16xf32>
        %get3A_584 = arith.index_cast %scan3A_437 : i32 to index
        %get3A_585 = arith.constant 32 : index
        %get3A_586 = tpu.vector_load %arg37[%get3A_584, %get3A_585] {strides = array<i32>} : memref<32x128xf32, #tpu.memory_space<vmem>>, vector<16xf32>,
        %add3A_587 = arith.addf %add3A_583, %get3A_586 : vector<16xf32>
        %swap3A_588 = arith.index_cast %scan3A_437 : i32 to index
        %swap3A_589 = arith.constant 96 : index
        %swap3A_590 = tpu.vector_load %arg43[%swap3A_588, %swap3A_589] {strides = array<i32>} : memref<32x128xf32, #tpu.memory_space<vmem>>, vector<16xf32>,
        tpu.vector_store %arg43[%swap3A_588, %swap3A_589], %add3A_587 {strides = array<i32>} : memref<32x128xf32, #tpu.memory_space<vmem>>, vector<16xf32>,
        %get3A_591 = arith.index_cast %scan3A_437 : i32 to index
        %get3A_592 = arith.constant 48 : index
        %get3A_593 = tpu.vector_load %arg29[%get3A_591, %get3A_592] {strides = array<i32>} : memref<32x128xf32, #tpu.memory_space<vmem>>, vector<16xf32>,
        %get3A_594 = arith.index_cast %scan3A_437 : i32 to index
        %get3A_595 = arith.constant 48 : index
        %get3A_596 = tpu.vector_load %arg31[%get3A_594, %get3A_595] {strides = array<i32>} : memref<32x128xf32, #tpu.memory_space<vmem>>, vector<16xf32>,
        %add3A_597 = arith.addf %get3A_593, %get3A_596 : vector<16xf32>
        %get3A_598 = arith.index_cast %scan3A_437 : i32 to index
        %get3A_599 = arith.constant 48 : index
        %get3A_600 = tpu.vector_load %arg33[%get3A_598, %get3A_599] {strides = array<i32>} : memref<32x128xf32, #tpu.memory_space<vmem>>, vector<16xf32>,
        %add3A_601 = arith.addf %add3A_597, %get3A_600 : vector<16xf32>
        %get3A_602 = arith.index_cast %scan3A_437 : i32 to index
        %get3A_603 = arith.constant 48 : index
        %get3A_604 = tpu.vector_load %arg35[%get3A_602, %get3A_603] {strides = array<i32>} : memref<32x128xf32, #tpu.memory_space<vmem>>, vector<16xf32>,
        %add3A_605 = arith.addf %add3A_601, %get3A_604 : vector<16xf32>
        %get3A_606 = arith.index_cast %scan3A_437 : i32 to index
        %get3A_607 = arith.constant 48 : index
        %get3A_608 = tpu.vector_load %arg37[%get3A_606, %get3A_607] {strides = array<i32>} : memref<32x128xf32, #tpu.memory_space<vmem>>, vector<16xf32>,
        %add3A_609 = arith.addf %add3A_605, %get3A_608 : vector<16xf32>
        %swap3A_610 = arith.index_cast %scan3A_437 : i32 to index
        %swap3A_611 = arith.constant 112 : index
        %swap3A_612 = tpu.vector_load %arg43[%swap3A_610, %swap3A_611] {strides = array<i32>} : memref<32x128xf32, #tpu.memory_space<vmem>>, vector<16xf32>,
        tpu.vector_store %arg43[%swap3A_610, %swap3A_611], %add3A_609 {strides = array<i32>} : memref<32x128xf32, #tpu.memory_space<vmem>>, vector<16xf32>,
        %scan3A_613 = arith.constant 0 : i32
        scf.yield %scan3A_613 : i32
      }
      %scan3A_318 = arith.constant 32 : i32
      %dma_start3A_319 = arith.constant 0 : i32
      %dma_start3A_320 = tpu.memref_slice %arg4[%add3A_229, %dma_start3A_319] : memref<16384x128xf32, #tpu.memory_space<hbm>> -> memref<32x128xf32, #tpu.memory_space<hbm>>
      %dma_start3A_321 = arith.constant 0 : i32
      %dma_start3A_322 = tpu.memref_slice %arg4[%add3A_229, %dma_start3A_321] : memref<16384x128xf32, #tpu.memory_space<hbm>> -> memref<32x128xf32, #tpu.memory_space<hbm>>
      tpu.enqueue_dma source(%arg43 : memref<32x128xf32, #tpu.memory_space<vmem>>) target(%dma_start3A_322 : memref<32x128xf32, #tpu.memory_space<hbm>>) target_semaphore(%arg47 : memref<!tpu.dma_semaphore, #tpu.memory_space<semaphore_mem>>)
      %add3A_323 = arith.constant 2 : i32
      %add3A_324 = arith.addi %add3A_226, %add3A_323 : i32
      %lt3A = arith.constant 16 : i32
      %lt3A_325 = arith.cmpi slt, %add3A_324, %lt3A : i32
      %convert_element_type3A_326 = arith.extui %lt3A_325 : i1 to i32
      %cond3A_327 = arith.constant 0 : i32
      %cond3A_328 = arith.cmpi ne, %convert_element_type3A_326, %cond3A_327 : i32
      scf.if %cond3A_328 {
        %add3A_437 = arith.constant 2 : i32
        %add3A_438 = arith.addi %add3A_226, %add3A_437 : i32
        %mul3A_439 = arith.constant 32 : i32
        %mul3A_440 = arith.muli %add3A_438, %mul3A_439 : i32
        %dma_start3A_441 = tpu.memref_slice %arg7[%mul3A_440] : memref<512xi32, #tpu.memory_space<vmem>> -> memref<32xi32, #tpu.memory_space<vmem>>
        %dma_start3A_442 = arith.constant 0 : i32
        %dma_start3A_443 = arith.constant 0 : i32
        %dma_start3A_444 = tpu.memref_slice %arg3[%dma_start3A_442, %dma_start3A_443] : memref<100001x128xf32, #tpu.memory_space<hbm>> -> memref<100001x128xf32, #tpu.memory_space<hbm>>
        tpu.enqueue_indirect_dma source(%dma_start3A_444 : memref<100001x128xf32, #tpu.memory_space<hbm>>) target(%arg19 : memref<32x128xf32, #tpu.memory_space<vmem>>) offsets(%dma_start3A_441 : memref<32xi32, #tpu.memory_space<vmem>>) semaphore(%arg45 : memref<!tpu.dma_semaphore, #tpu.memory_space<semaphore_mem>>)
        %mul3A_445 = arith.constant 32 : i32
        %mul3A_446 = arith.muli %add3A_438, %mul3A_445 : i32
        %dma_start3A_447 = tpu.memref_slice %arg8[%mul3A_446] : memref<512xi32, #tpu.memory_space<vmem>> -> memref<32xi32, #tpu.memory_space<vmem>>
        %dma_start3A_448 = arith.constant 0 : i32
        %dma_start3A_449 = arith.constant 0 : i32
        %dma_start3A_450 = tpu.memref_slice %arg3[%dma_start3A_448, %dma_start3A_449] : memref<100001x128xf32, #tpu.memory_space<hbm>> -> memref<100001x128xf32, #tpu.memory_space<hbm>>
        tpu.enqueue_indirect_dma source(%dma_start3A_450 : memref<100001x128xf32, #tpu.memory_space<hbm>>) target(%arg21 : memref<32x128xf32, #tpu.memory_space<vmem>>) offsets(%dma_start3A_447 : memref<32xi32, #tpu.memory_space<vmem>>) semaphore(%arg45 : memref<!tpu.dma_semaphore, #tpu.memory_space<semaphore_mem>>)
        %mul3A_451 = arith.constant 32 : i32
        %mul3A_452 = arith.muli %add3A_438, %mul3A_451 : i32
        %dma_start3A_453 = tpu.memref_slice %arg9[%mul3A_452] : memref<512xi32, #tpu.memory_space<vmem>> -> memref<32xi32, #tpu.memory_space<vmem>>
        %dma_start3A_454 = arith.constant 0 : i32
        %dma_start3A_455 = arith.constant 0 : i32
        %dma_start3A_456 = tpu.memref_slice %arg3[%dma_start3A_454, %dma_start3A_455] : memref<100001x128xf32, #tpu.memory_space<hbm>> -> memref<100001x128xf32, #tpu.memory_space<hbm>>
        tpu.enqueue_indirect_dma source(%dma_start3A_456 : memref<100001x128xf32, #tpu.memory_space<hbm>>) target(%arg23 : memref<32x128xf32, #tpu.memory_space<vmem>>) offsets(%dma_start3A_453 : memref<32xi32, #tpu.memory_space<vmem>>) semaphore(%arg45 : memref<!tpu.dma_semaphore, #tpu.memory_space<semaphore_mem>>)
        %mul3A_457 = arith.constant 32 : i32
        %mul3A_458 = arith.muli %add3A_438, %mul3A_457 : i32
        %dma_start3A_459 = tpu.memref_slice %arg10[%mul3A_458] : memref<512xi32, #tpu.memory_space<vmem>> -> memref<32xi32, #tpu.memory_space<vmem>>
        %dma_start3A_460 = arith.constant 0 : i32
        %dma_start3A_461 = arith.constant 0 : i32
        %dma_start3A_462 = tpu.memref_slice %arg3[%dma_start3A_460, %dma_start3A_461] : memref<100001x128xf32, #tpu.memory_space<hbm>> -> memref<100001x128xf32, #tpu.memory_space<hbm>>
        tpu.enqueue_indirect_dma source(%dma_start3A_462 : memref<100001x128xf32, #tpu.memory_space<hbm>>) target(%arg25 : memref<32x128xf32, #tpu.memory_space<vmem>>) offsets(%dma_start3A_459 : memref<32xi32, #tpu.memory_space<vmem>>) semaphore(%arg45 : memref<!tpu.dma_semaphore, #tpu.memory_space<semaphore_mem>>)
        %mul3A_463 = arith.constant 32 : i32
        %mul3A_464 = arith.muli %add3A_438, %mul3A_463 : i32
        %dma_start3A_465 = tpu.memref_slice %arg11[%mul3A_464] : memref<512xi32, #tpu.memory_space<vmem>> -> memref<32xi32, #tpu.memory_space<vmem>>
        %dma_start3A_466 = arith.constant 0 : i32
        %dma_start3A_467 = arith.constant 0 : i32
        %dma_start3A_468 = tpu.memref_slice %arg3[%dma_start3A_466, %dma_start3A_467] : memref<100001x128xf32, #tpu.memory_space<hbm>> -> memref<100001x128xf32, #tpu.memory_space<hbm>>
        tpu.enqueue_indirect_dma source(%dma_start3A_468 : memref<100001x128xf32, #tpu.memory_space<hbm>>) target(%arg27 : memref<32x128xf32, #tpu.memory_space<vmem>>) offsets(%dma_start3A_465 : memref<32xi32, #tpu.memory_space<vmem>>) semaphore(%arg45 : memref<!tpu.dma_semaphore, #tpu.memory_space<semaphore_mem>>)
        %mul3A_469 = arith.constant 32 : i32
        %mul3A_470 = arith.muli %add3A_438, %mul3A_469 : i32
        %dma_start3A_471 = tpu.memref_slice %arg12[%mul3A_470] : memref<512xi32, #tpu.memory_space<vmem>> -> memref<32xi32, #tpu.memory_space<vmem>>
        %dma_start3A_472 = arith.constant 0 : i32
        %dma_start3A_473 = arith.constant 0 : i32
        %dma_start3A_474 = tpu.memref_slice %arg3[%dma_start3A_472, %dma_start3A_473] : memref<100001x128xf32, #tpu.memory_space<hbm>> -> memref<100001x128xf32, #tpu.memory_space<hbm>>
        tpu.enqueue_indirect_dma source(%dma_start3A_474 : memref<100001x128xf32, #tpu.memory_space<hbm>>) target(%arg29 : memref<32x128xf32, #tpu.memory_space<vmem>>) offsets(%dma_start3A_471 : memref<32xi32, #tpu.memory_space<vmem>>) semaphore(%arg45 : memref<!tpu.dma_semaphore, #tpu.memory_space<semaphore_mem>>)
        %mul3A_475 = arith.constant 32 : i32
        %mul3A_476 = arith.muli %add3A_438, %mul3A_475 : i32
        %dma_start3A_477 = tpu.memref_slice %arg13[%mul3A_476] : memref<512xi32, #tpu.memory_space<vmem>> -> memref<32xi32, #tpu.memory_space<vmem>>
        %dma_start3A_478 = arith.constant 0 : i32
        %dma_start3A_479 = arith.constant 0 : i32
        %dma_start3A_480 = tpu.memref_slice %arg3[%dma_start3A_478, %dma_start3A_479] : memref<100001x128xf32, #tpu.memory_space<hbm>> -> memref<100001x128xf32, #tpu.memory_space<hbm>>
        tpu.enqueue_indirect_dma source(%dma_start3A_480 : memref<100001x128xf32, #tpu.memory_space<hbm>>) target(%arg31 : memref<32x128xf32, #tpu.memory_space<vmem>>) offsets(%dma_start3A_477 : memref<32xi32, #tpu.memory_space<vmem>>) semaphore(%arg45 : memref<!tpu.dma_semaphore, #tpu.memory_space<semaphore_mem>>)
        %mul3A_481 = arith.constant 32 : i32
        %mul3A_482 = arith.muli %add3A_438, %mul3A_481 : i32
        %dma_start3A_483 = tpu.memref_slice %arg14[%mul3A_482] : memref<512xi32, #tpu.memory_space<vmem>> -> memref<32xi32, #tpu.memory_space<vmem>>
        %dma_start3A_484 = arith.constant 0 : i32
        %dma_start3A_485 = arith.constant 0 : i32
        %dma_start3A_486 = tpu.memref_slice %arg3[%dma_start3A_484, %dma_start3A_485] : memref<100001x128xf32, #tpu.memory_space<hbm>> -> memref<100001x128xf32, #tpu.memory_space<hbm>>
        tpu.enqueue_indirect_dma source(%dma_start3A_486 : memref<100001x128xf32, #tpu.memory_space<hbm>>) target(%arg33 : memref<32x128xf32, #tpu.memory_space<vmem>>) offsets(%dma_start3A_483 : memref<32xi32, #tpu.memory_space<vmem>>) semaphore(%arg45 : memref<!tpu.dma_semaphore, #tpu.memory_space<semaphore_mem>>)
        %mul3A_487 = arith.constant 32 : i32
        %mul3A_488 = arith.muli %add3A_438, %mul3A_487 : i32
        %dma_start3A_489 = tpu.memref_slice %arg15[%mul3A_488] : memref<512xi32, #tpu.memory_space<vmem>> -> memref<32xi32, #tpu.memory_space<vmem>>
        %dma_start3A_490 = arith.constant 0 : i32
        %dma_start3A_491 = arith.constant 0 : i32
        %dma_start3A_492 = tpu.memref_slice %arg3[%dma_start3A_490, %dma_start3A_491] : memref<100001x128xf32, #tpu.memory_space<hbm>> -> memref<100001x128xf32, #tpu.memory_space<hbm>>
        tpu.enqueue_indirect_dma source(%dma_start3A_492 : memref<100001x128xf32, #tpu.memory_space<hbm>>) target(%arg35 : memref<32x128xf32, #tpu.memory_space<vmem>>) offsets(%dma_start3A_489 : memref<32xi32, #tpu.memory_space<vmem>>) semaphore(%arg45 : memref<!tpu.dma_semaphore, #tpu.memory_space<semaphore_mem>>)
        %mul3A_493 = arith.constant 32 : i32
        %mul3A_494 = arith.muli %add3A_438, %mul3A_493 : i32
        %dma_start3A_495 = tpu.memref_slice %arg16[%mul3A_494] : memref<512xi32, #tpu.memory_space<vmem>> -> memref<32xi32, #tpu.memory_space<vmem>>
        %dma_start3A_496 = arith.constant 0 : i32
        %dma_start3A_497 = arith.constant 0 : i32
        %dma_start3A_498 = tpu.memref_slice %arg3[%dma_start3A_496, %dma_start3A_497] : memref<100001x128xf32, #tpu.memory_space<hbm>> -> memref<100001x128xf32, #tpu.memory_space<hbm>>
        tpu.enqueue_indirect_dma source(%dma_start3A_498 : memref<100001x128xf32, #tpu.memory_space<hbm>>) target(%arg37 : memref<32x128xf32, #tpu.memory_space<vmem>>) offsets(%dma_start3A_495 : memref<32xi32, #tpu.memory_space<vmem>>) semaphore(%arg45 : memref<!tpu.dma_semaphore, #tpu.memory_space<semaphore_mem>>)
        %dma_wait3A_499 = arith.constant 0 : i32
        %dma_wait3A_500 = tpu.memref_slice %arg5[%mul3A_2, %dma_wait3A_499] : memref<16384x128xf32, #tpu.memory_space<hbm>> -> memref<32x128xf32, #tpu.memory_space<hbm>>
        %dma_wait3A_501 = arith.constant 0 : i32
        %dma_wait3A_502 = tpu.memref_slice %arg5[%mul3A_2, %dma_wait3A_501] : memref<16384x128xf32, #tpu.memory_space<hbm>> -> memref<32x128xf32, #tpu.memory_space<hbm>>
        tpu.wait_dma2 semaphore(%arg49 : memref<!tpu.dma_semaphore, #tpu.memory_space<semaphore_mem>>) src(%arg19 : memref<32x128xf32, #tpu.memory_space<vmem>>) dst(%dma_wait3A_502 : memref<32x128xf32, #tpu.memory_space<hbm>>)
        %dma_wait3A_503 = arith.constant 0 : i32
        %dma_wait3A_504 = tpu.memref_slice %arg6[%mul3A_2, %dma_wait3A_503] : memref<16384x128xf32, #tpu.memory_space<hbm>> -> memref<32x128xf32, #tpu.memory_space<hbm>>
        %dma_wait3A_505 = arith.constant 0 : i32
        %dma_wait3A_506 = tpu.memref_slice %arg6[%mul3A_2, %dma_wait3A_505] : memref<16384x128xf32, #tpu.memory_space<hbm>> -> memref<32x128xf32, #tpu.memory_space<hbm>>
        tpu.wait_dma2 semaphore(%arg49 : memref<!tpu.dma_semaphore, #tpu.memory_space<semaphore_mem>>) src(%arg19 : memref<32x128xf32, #tpu.memory_space<vmem>>) dst(%dma_wait3A_506 : memref<32x128xf32, #tpu.memory_space<hbm>>)
        %add3A_507 = arith.constant 2 : i32
        %add3A_508 = arith.addi %add3A_226, %add3A_507 : i32
        %mul3A_509 = arith.constant 32 : i32
        %mul3A_510 = arith.muli %add3A_508, %mul3A_509 : i32
        %dma_start3A_511 = tpu.memref_slice %arg17[%mul3A_510] : memref<512xi32, #tpu.memory_space<vmem>> -> memref<32xi32, #tpu.memory_space<vmem>>
        %dma_start3A_512 = arith.constant 0 : i32
        %dma_start3A_513 = arith.constant 0 : i32
        %dma_start3A_514 = tpu.memref_slice %arg3[%dma_start3A_512, %dma_start3A_513] : memref<100001x128xf32, #tpu.memory_space<hbm>> -> memref<100001x128xf32, #tpu.memory_space<hbm>>
        tpu.enqueue_indirect_dma source(%dma_start3A_514 : memref<100001x128xf32, #tpu.memory_space<hbm>>) target(%arg39 : memref<32x128xf32, #tpu.memory_space<vmem>>) offsets(%dma_start3A_511 : memref<32xi32, #tpu.memory_space<vmem>>) semaphore(%arg45 : memref<!tpu.dma_semaphore, #tpu.memory_space<semaphore_mem>>)
        %mul3A_515 = arith.constant 32 : i32
        %mul3A_516 = arith.muli %add3A_508, %mul3A_515 : i32
        %dma_start3A_517 = tpu.memref_slice %arg18[%mul3A_516] : memref<512xi32, #tpu.memory_space<vmem>> -> memref<32xi32, #tpu.memory_space<vmem>>
        %dma_start3A_518 = arith.constant 0 : i32
        %dma_start3A_519 = arith.constant 0 : i32
        %dma_start3A_520 = tpu.memref_slice %arg3[%dma_start3A_518, %dma_start3A_519] : memref<100001x128xf32, #tpu.memory_space<hbm>> -> memref<100001x128xf32, #tpu.memory_space<hbm>>
        tpu.enqueue_indirect_dma source(%dma_start3A_520 : memref<100001x128xf32, #tpu.memory_space<hbm>>) target(%arg41 : memref<32x128xf32, #tpu.memory_space<vmem>>) offsets(%dma_start3A_517 : memref<32xi32, #tpu.memory_space<vmem>>) semaphore(%arg45 : memref<!tpu.dma_semaphore, #tpu.memory_space<semaphore_mem>>)
      } else {
      }
      %add3A_329 = arith.constant 1 : i32
      %add3A_330 = arith.addi %mul3A_224, %add3A_329 : i32
      %mul3A_331 = arith.constant 32 : i32
      %mul3A_332 = arith.muli %add3A_330, %mul3A_331 : i32
      %add3A_333 = arith.addi %mul3A_2, %mul3A_332 : i32
      %dma_wait3A_334 = arith.constant 0 : i32
      %dma_wait3A_335 = arith.constant 0 : i32
      %dma_wait3A_336 = tpu.memref_slice %arg3[%dma_wait3A_334, %dma_wait3A_335] : memref<100001x128xf32, #tpu.memory_space<hbm>> -> memref<32x128xf32, #tpu.memory_space<hbm>>
      %dma_wait3A_337 = arith.constant 0 : i32
      %dma_wait3A_338 = arith.constant 0 : i32
      %dma_wait3A_339 = tpu.memref_slice %arg3[%dma_wait3A_337, %dma_wait3A_338] : memref<100001x128xf32, #tpu.memory_space<hbm>> -> memref<32x128xf32, #tpu.memory_space<hbm>>
      tpu.wait_dma2 semaphore(%arg46 : memref<!tpu.dma_semaphore, #tpu.memory_space<semaphore_mem>>) src(%dma_wait3A_339 : memref<32x128xf32, #tpu.memory_space<hbm>>) dst(%arg20 : memref<32x128xf32, #tpu.memory_space<vmem>>)
      %dma_wait3A_340 = arith.constant 0 : i32
      %dma_wait3A_341 = arith.constant 0 : i32
      %dma_wait3A_342 = tpu.memref_slice %arg3[%dma_wait3A_340, %dma_wait3A_341] : memref<100001x128xf32, #tpu.memory_space<hbm>> -> memref<32x128xf32, #tpu.memory_space<hbm>>
      %dma_wait3A_343 = arith.constant 0 : i32
      %dma_wait3A_344 = arith.constant 0 : i32
      %dma_wait3A_345 = tpu.memref_slice %arg3[%dma_wait3A_343, %dma_wait3A_344] : memref<100001x128xf32, #tpu.memory_space<hbm>> -> memref<32x128xf32, #tpu.memory_space<hbm>>
      tpu.wait_dma2 semaphore(%arg46 : memref<!tpu.dma_semaphore, #tpu.memory_space<semaphore_mem>>) src(%dma_wait3A_345 : memref<32x128xf32, #tpu.memory_space<hbm>>) dst(%arg22 : memref<32x128xf32, #tpu.memory_space<vmem>>)
      %dma_wait3A_346 = arith.constant 0 : i32
      %dma_wait3A_347 = arith.constant 0 : i32
      %dma_wait3A_348 = tpu.memref_slice %arg3[%dma_wait3A_346, %dma_wait3A_347] : memref<100001x128xf32, #tpu.memory_space<hbm>> -> memref<32x128xf32, #tpu.memory_space<hbm>>
      %dma_wait3A_349 = arith.constant 0 : i32
      %dma_wait3A_350 = arith.constant 0 : i32
      %dma_wait3A_351 = tpu.memref_slice %arg3[%dma_wait3A_349, %dma_wait3A_350] : memref<100001x128xf32, #tpu.memory_space<hbm>> -> memref<32x128xf32, #tpu.memory_space<hbm>>
      tpu.wait_dma2 semaphore(%arg46 : memref<!tpu.dma_semaphore, #tpu.memory_space<semaphore_mem>>) src(%dma_wait3A_351 : memref<32x128xf32, #tpu.memory_space<hbm>>) dst(%arg24 : memref<32x128xf32, #tpu.memory_space<vmem>>)
      %dma_wait3A_352 = arith.constant 0 : i32
      %dma_wait3A_353 = arith.constant 0 : i32
      %dma_wait3A_354 = tpu.memref_slice %arg3[%dma_wait3A_352, %dma_wait3A_353] : memref<100001x128xf32, #tpu.memory_space<hbm>> -> memref<32x128xf32, #tpu.memory_space<hbm>>
      %dma_wait3A_355 = arith.constant 0 : i32
      %dma_wait3A_356 = arith.constant 0 : i32
      %dma_wait3A_357 = tpu.memref_slice %arg3[%dma_wait3A_355, %dma_wait3A_356] : memref<100001x128xf32, #tpu.memory_space<hbm>> -> memref<32x128xf32, #tpu.memory_space<hbm>>
      tpu.wait_dma2 semaphore(%arg46 : memref<!tpu.dma_semaphore, #tpu.memory_space<semaphore_mem>>) src(%dma_wait3A_357 : memref<32x128xf32, #tpu.memory_space<hbm>>) dst(%arg26 : memref<32x128xf32, #tpu.memory_space<vmem>>)
      %dma_wait3A_358 = arith.constant 0 : i32
      %dma_wait3A_359 = arith.constant 0 : i32
      %dma_wait3A_360 = tpu.memref_slice %arg3[%dma_wait3A_358, %dma_wait3A_359] : memref<100001x128xf32, #tpu.memory_space<hbm>> -> memref<32x128xf32, #tpu.memory_space<hbm>>
      %dma_wait3A_361 = arith.constant 0 : i32
      %dma_wait3A_362 = arith.constant 0 : i32
      %dma_wait3A_363 = tpu.memref_slice %arg3[%dma_wait3A_361, %dma_wait3A_362] : memref<100001x128xf32, #tpu.memory_space<hbm>> -> memref<32x128xf32, #tpu.memory_space<hbm>>
      tpu.wait_dma2 semaphore(%arg46 : memref<!tpu.dma_semaphore, #tpu.memory_space<semaphore_mem>>) src(%dma_wait3A_363 : memref<32x128xf32, #tpu.memory_space<hbm>>) dst(%arg28 : memref<32x128xf32, #tpu.memory_space<vmem>>)
      %dma_wait3A_364 = arith.constant 0 : i32
      %dma_wait3A_365 = arith.constant 0 : i32
      %dma_wait3A_366 = tpu.memref_slice %arg3[%dma_wait3A_364, %dma_wait3A_365] : memref<100001x128xf32, #tpu.memory_space<hbm>> -> memref<32x128xf32, #tpu.memory_space<hbm>>
      %dma_wait3A_367 = arith.constant 0 : i32
      %dma_wait3A_368 = arith.constant 0 : i32
      %dma_wait3A_369 = tpu.memref_slice %arg3[%dma_wait3A_367, %dma_wait3A_368] : memref<100001x128xf32, #tpu.memory_space<hbm>> -> memref<32x128xf32, #tpu.memory_space<hbm>>
      tpu.wait_dma2 semaphore(%arg46 : memref<!tpu.dma_semaphore, #tpu.memory_space<semaphore_mem>>) src(%dma_wait3A_369 : memref<32x128xf32, #tpu.memory_space<hbm>>) dst(%arg30 : memref<32x128xf32, #tpu.memory_space<vmem>>)
      %dma_wait3A_370 = arith.constant 0 : i32
      %dma_wait3A_371 = arith.constant 0 : i32
      %dma_wait3A_372 = tpu.memref_slice %arg3[%dma_wait3A_370, %dma_wait3A_371] : memref<100001x128xf32, #tpu.memory_space<hbm>> -> memref<32x128xf32, #tpu.memory_space<hbm>>
      %dma_wait3A_373 = arith.constant 0 : i32
      %dma_wait3A_374 = arith.constant 0 : i32
      %dma_wait3A_375 = tpu.memref_slice %arg3[%dma_wait3A_373, %dma_wait3A_374] : memref<100001x128xf32, #tpu.memory_space<hbm>> -> memref<32x128xf32, #tpu.memory_space<hbm>>
      tpu.wait_dma2 semaphore(%arg46 : memref<!tpu.dma_semaphore, #tpu.memory_space<semaphore_mem>>) src(%dma_wait3A_375 : memref<32x128xf32, #tpu.memory_space<hbm>>) dst(%arg32 : memref<32x128xf32, #tpu.memory_space<vmem>>)
      %dma_wait3A_376 = arith.constant 0 : i32
      %dma_wait3A_377 = arith.constant 0 : i32
      %dma_wait3A_378 = tpu.memref_slice %arg3[%dma_wait3A_376, %dma_wait3A_377] : memref<100001x128xf32, #tpu.memory_space<hbm>> -> memref<32x128xf32, #tpu.memory_space<hbm>>
      %dma_wait3A_379 = arith.constant 0 : i32
      %dma_wait3A_380 = arith.constant 0 : i32
      %dma_wait3A_381 = tpu.memref_slice %arg3[%dma_wait3A_379, %dma_wait3A_380] : memref<100001x128xf32, #tpu.memory_space<hbm>> -> memref<32x128xf32, #tpu.memory_space<hbm>>
      tpu.wait_dma2 semaphore(%arg46 : memref<!tpu.dma_semaphore, #tpu.memory_space<semaphore_mem>>) src(%dma_wait3A_381 : memref<32x128xf32, #tpu.memory_space<hbm>>) dst(%arg34 : memref<32x128xf32, #tpu.memory_space<vmem>>)
      %dma_wait3A_382 = arith.constant 0 : i32
      %dma_wait3A_383 = arith.constant 0 : i32
      %dma_wait3A_384 = tpu.memref_slice %arg3[%dma_wait3A_382, %dma_wait3A_383] : memref<100001x128xf32, #tpu.memory_space<hbm>> -> memref<32x128xf32, #tpu.memory_space<hbm>>
      %dma_wait3A_385 = arith.constant 0 : i32
      %dma_wait3A_386 = arith.constant 0 : i32
      %dma_wait3A_387 = tpu.memref_slice %arg3[%dma_wait3A_385, %dma_wait3A_386] : memref<100001x128xf32, #tpu.memory_space<hbm>> -> memref<32x128xf32, #tpu.memory_space<hbm>>
      tpu.wait_dma2 semaphore(%arg46 : memref<!tpu.dma_semaphore, #tpu.memory_space<semaphore_mem>>) src(%dma_wait3A_387 : memref<32x128xf32, #tpu.memory_space<hbm>>) dst(%arg36 : memref<32x128xf32, #tpu.memory_space<vmem>>)
      %dma_wait3A_388 = arith.constant 0 : i32
      %dma_wait3A_389 = arith.constant 0 : i32
      %dma_wait3A_390 = tpu.memref_slice %arg3[%dma_wait3A_388, %dma_wait3A_389] : memref<100001x128xf32, #tpu.memory_space<hbm>> -> memref<32x128xf32, #tpu.memory_space<hbm>>
      %dma_wait3A_391 = arith.constant 0 : i32
      %dma_wait3A_392 = arith.constant 0 : i32
      %dma_wait3A_393 = tpu.memref_slice %arg3[%dma_wait3A_391, %dma_wait3A_392] : memref<100001x128xf32, #tpu.memory_space<hbm>> -> memref<32x128xf32, #tpu.memory_space<hbm>>
      tpu.wait_dma2 semaphore(%arg46 : memref<!tpu.dma_semaphore, #tpu.memory_space<semaphore_mem>>) src(%dma_wait3A_393 : memref<32x128xf32, #tpu.memory_space<hbm>>) dst(%arg38 : memref<32x128xf32, #tpu.memory_space<vmem>>)
      %dma_wait3A_394 = arith.constant 0 : i32
      %dma_wait3A_395 = arith.constant 0 : i32
      %dma_wait3A_396 = tpu.memref_slice %arg3[%dma_wait3A_394, %dma_wait3A_395] : memref<100001x128xf32, #tpu.memory_space<hbm>> -> memref<32x128xf32, #tpu.memory_space<hbm>>
      %dma_wait3A_397 = arith.constant 0 : i32
      %dma_wait3A_398 = arith.constant 0 : i32
      %dma_wait3A_399 = tpu.memref_slice %arg3[%dma_wait3A_397, %dma_wait3A_398] : memref<100001x128xf32, #tpu.memory_space<hbm>> -> memref<32x128xf32, #tpu.memory_space<hbm>>
      tpu.wait_dma2 semaphore(%arg46 : memref<!tpu.dma_semaphore, #tpu.memory_space<semaphore_mem>>) src(%dma_wait3A_399 : memref<32x128xf32, #tpu.memory_space<hbm>>) dst(%arg40 : memref<32x128xf32, #tpu.memory_space<vmem>>)
      %dma_wait3A_400 = arith.constant 0 : i32
      %dma_wait3A_401 = arith.constant 0 : i32
      %dma_wait3A_402 = tpu.memref_slice %arg3[%dma_wait3A_400, %dma_wait3A_401] : memref<100001x128xf32, #tpu.memory_space<hbm>> -> memref<32x128xf32, #tpu.memory_space<hbm>>
      %dma_wait3A_403 = arith.constant 0 : i32
      %dma_wait3A_404 = arith.constant 0 : i32
      %dma_wait3A_405 = tpu.memref_slice %arg3[%dma_wait3A_403, %dma_wait3A_404] : memref<100001x128xf32, #tpu.memory_space<hbm>> -> memref<32x128xf32, #tpu.memory_space<hbm>>
      tpu.wait_dma2 semaphore(%arg46 : memref<!tpu.dma_semaphore, #tpu.memory_space<semaphore_mem>>) src(%dma_wait3A_405 : memref<32x128xf32, #tpu.memory_space<hbm>>) dst(%arg42 : memref<32x128xf32, #tpu.memory_space<vmem>>)
      %dma_start3A_406 = arith.constant 0 : i32
      %dma_start3A_407 = tpu.memref_slice %arg5[%add3A_333, %dma_start3A_406] : memref<16384x128xf32, #tpu.memory_space<hbm>> -> memref<32x128xf32, #tpu.memory_space<hbm>>
      %dma_start3A_408 = arith.constant 0 : i32
      %dma_start3A_409 = tpu.memref_slice %arg5[%add3A_333, %dma_start3A_408] : memref<16384x128xf32, #tpu.memory_space<hbm>> -> memref<32x128xf32, #tpu.memory_space<hbm>>
      tpu.enqueue_dma source(%arg40 : memref<32x128xf32, #tpu.memory_space<vmem>>) target(%dma_start3A_409 : memref<32x128xf32, #tpu.memory_space<hbm>>) target_semaphore(%arg50 : memref<!tpu.dma_semaphore, #tpu.memory_space<semaphore_mem>>)
      %dma_start3A_410 = arith.constant 0 : i32
      %dma_start3A_411 = tpu.memref_slice %arg6[%add3A_333, %dma_start3A_410] : memref<16384x128xf32, #tpu.memory_space<hbm>> -> memref<32x128xf32, #tpu.memory_space<hbm>>
      %dma_start3A_412 = arith.constant 0 : i32
      %dma_start3A_413 = tpu.memref_slice %arg6[%add3A_333, %dma_start3A_412] : memref<16384x128xf32, #tpu.memory_space<hbm>> -> memref<32x128xf32, #tpu.memory_space<hbm>>
      tpu.enqueue_dma source(%arg42 : memref<32x128xf32, #tpu.memory_space<vmem>>) target(%dma_start3A_413 : memref<32x128xf32, #tpu.memory_space<hbm>>) target_semaphore(%arg50 : memref<!tpu.dma_semaphore, #tpu.memory_space<semaphore_mem>>)
      %ge3A_414 = arith.constant 2 : i32
      %ge3A_415 = arith.cmpi sge, %add3A_330, %ge3A_414 : i32
      %convert_element_type3A_416 = arith.extui %ge3A_415 : i1 to i32
      %cond3A_417 = arith.constant 0 : i32
      %cond3A_418 = arith.cmpi ne, %convert_element_type3A_416, %cond3A_417 : i32
      scf.if %cond3A_418 {
        %dma_wait3A_437 = arith.constant 0 : i32
        %dma_wait3A_438 = tpu.memref_slice %arg4[%mul3A_2, %dma_wait3A_437] : memref<16384x128xf32, #tpu.memory_space<hbm>> -> memref<32x128xf32, #tpu.memory_space<hbm>>
        %dma_wait3A_439 = arith.constant 0 : i32
        %dma_wait3A_440 = tpu.memref_slice %arg4[%mul3A_2, %dma_wait3A_439] : memref<16384x128xf32, #tpu.memory_space<hbm>> -> memref<32x128xf32, #tpu.memory_space<hbm>>
        tpu.wait_dma2 semaphore(%arg48 : memref<!tpu.dma_semaphore, #tpu.memory_space<semaphore_mem>>) src(%arg44 : memref<32x128xf32, #tpu.memory_space<vmem>>) dst(%dma_wait3A_440 : memref<32x128xf32, #tpu.memory_space<hbm>>)
      } else {
      }
      %scan3A_419 = arith.constant 0 : i32
      %scan3A_420 = arith.constant 0 : i32
      %scan3A_421 = arith.constant 32 : i32
      %scan3A_422 = arith.addi %scan3A_420, %scan3A_421 : i32
      %scan3A_423 = arith.constant 1 : i32
      %scan3A_424 = scf.for %scan3A_437 = %scan3A_420 to %scan3A_422 step %scan3A_423 iter_args(%scan3A_438 = %scan3A_419) -> (i32)  : i32 {
        %get3A = arith.index_cast %scan3A_437 : i32 to index
        %get3A_439 = arith.constant 0 : index
        %get3A_440 = tpu.vector_load %arg20[%get3A, %get3A_439] {strides = array<i32>} : memref<32x128xf32, #tpu.memory_space<vmem>>, vector<16xf32>,
        %get3A_441 = arith.index_cast %scan3A_437 : i32 to index
        %get3A_442 = arith.constant 0 : index
        %get3A_443 = tpu.vector_load %arg22[%get3A_441, %get3A_442] {strides = array<i32>} : memref<32x128xf32, #tpu.memory_space<vmem>>, vector<16xf32>,
        %add3A_444 = arith.addf %get3A_440, %get3A_443 : vector<16xf32>
        %get3A_445 = arith.index_cast %scan3A_437 : i32 to index
        %get3A_446 = arith.constant 0 : index
        %get3A_447 = tpu.vector_load %arg24[%get3A_445, %get3A_446] {strides = array<i32>} : memref<32x128xf32, #tpu.memory_space<vmem>>, vector<16xf32>,
        %add3A_448 = arith.addf %add3A_444, %get3A_447 : vector<16xf32>
        %get3A_449 = arith.index_cast %scan3A_437 : i32 to index
        %get3A_450 = arith.constant 0 : index
        %get3A_451 = tpu.vector_load %arg26[%get3A_449, %get3A_450] {strides = array<i32>} : memref<32x128xf32, #tpu.memory_space<vmem>>, vector<16xf32>,
        %add3A_452 = arith.addf %add3A_448, %get3A_451 : vector<16xf32>
        %get3A_453 = arith.index_cast %scan3A_437 : i32 to index
        %get3A_454 = arith.constant 0 : index
        %get3A_455 = tpu.vector_load %arg28[%get3A_453, %get3A_454] {strides = array<i32>} : memref<32x128xf32, #tpu.memory_space<vmem>>, vector<16xf32>,
        %add3A_456 = arith.addf %add3A_452, %get3A_455 : vector<16xf32>
        %swap3A = arith.index_cast %scan3A_437 : i32 to index
        %swap3A_457 = arith.constant 0 : index
        %swap3A_458 = tpu.vector_load %arg44[%swap3A, %swap3A_457] {strides = array<i32>} : memref<32x128xf32, #tpu.memory_space<vmem>>, vector<16xf32>,
        tpu.vector_store %arg44[%swap3A, %swap3A_457], %add3A_456 {strides = array<i32>} : memref<32x128xf32, #tpu.memory_space<vmem>>, vector<16xf32>,
        %get3A_459 = arith.index_cast %scan3A_437 : i32 to index
        %get3A_460 = arith.constant 16 : index
        %get3A_461 = tpu.vector_load %arg20[%get3A_459, %get3A_460] {strides = array<i32>} : memref<32x128xf32, #tpu.memory_space<vmem>>, vector<16xf32>,
        %get3A_462 = arith.index_cast %scan3A_437 : i32 to index
        %get3A_463 = arith.constant 16 : index
        %get3A_464 = tpu.vector_load %arg22[%get3A_462, %get3A_463] {strides = array<i32>} : memref<32x128xf32, #tpu.memory_space<vmem>>, vector<16xf32>,
        %add3A_465 = arith.addf %get3A_461, %get3A_464 : vector<16xf32>
        %get3A_466 = arith.index_cast %scan3A_437 : i32 to index
        %get3A_467 = arith.constant 16 : index
        %get3A_468 = tpu.vector_load %arg24[%get3A_466, %get3A_467] {strides = array<i32>} : memref<32x128xf32, #tpu.memory_space<vmem>>, vector<16xf32>,
        %add3A_469 = arith.addf %add3A_465, %get3A_468 : vector<16xf32>
        %get3A_470 = arith.index_cast %scan3A_437 : i32 to index
        %get3A_471 = arith.constant 16 : index
        %get3A_472 = tpu.vector_load %arg26[%get3A_470, %get3A_471] {strides = array<i32>} : memref<32x128xf32, #tpu.memory_space<vmem>>, vector<16xf32>,
        %add3A_473 = arith.addf %add3A_469, %get3A_472 : vector<16xf32>
        %get3A_474 = arith.index_cast %scan3A_437 : i32 to index
        %get3A_475 = arith.constant 16 : index
        %get3A_476 = tpu.vector_load %arg28[%get3A_474, %get3A_475] {strides = array<i32>} : memref<32x128xf32, #tpu.memory_space<vmem>>, vector<16xf32>,
        %add3A_477 = arith.addf %add3A_473, %get3A_476 : vector<16xf32>
        %swap3A_478 = arith.index_cast %scan3A_437 : i32 to index
        %swap3A_479 = arith.constant 16 : index
        %swap3A_480 = tpu.vector_load %arg44[%swap3A_478, %swap3A_479] {strides = array<i32>} : memref<32x128xf32, #tpu.memory_space<vmem>>, vector<16xf32>,
        tpu.vector_store %arg44[%swap3A_478, %swap3A_479], %add3A_477 {strides = array<i32>} : memref<32x128xf32, #tpu.memory_space<vmem>>, vector<16xf32>,
        %get3A_481 = arith.index_cast %scan3A_437 : i32 to index
        %get3A_482 = arith.constant 32 : index
        %get3A_483 = tpu.vector_load %arg20[%get3A_481, %get3A_482] {strides = array<i32>} : memref<32x128xf32, #tpu.memory_space<vmem>>, vector<16xf32>,
        %get3A_484 = arith.index_cast %scan3A_437 : i32 to index
        %get3A_485 = arith.constant 32 : index
        %get3A_486 = tpu.vector_load %arg22[%get3A_484, %get3A_485] {strides = array<i32>} : memref<32x128xf32, #tpu.memory_space<vmem>>, vector<16xf32>,
        %add3A_487 = arith.addf %get3A_483, %get3A_486 : vector<16xf32>
        %get3A_488 = arith.index_cast %scan3A_437 : i32 to index
        %get3A_489 = arith.constant 32 : index
        %get3A_490 = tpu.vector_load %arg24[%get3A_488, %get3A_489] {strides = array<i32>} : memref<32x128xf32, #tpu.memory_space<vmem>>, vector<16xf32>,
        %add3A_491 = arith.addf %add3A_487, %get3A_490 : vector<16xf32>
        %get3A_492 = arith.index_cast %scan3A_437 : i32 to index
        %get3A_493 = arith.constant 32 : index
        %get3A_494 = tpu.vector_load %arg26[%get3A_492, %get3A_493] {strides = array<i32>} : memref<32x128xf32, #tpu.memory_space<vmem>>, vector<16xf32>,
        %add3A_495 = arith.addf %add3A_491, %get3A_494 : vector<16xf32>
        %get3A_496 = arith.index_cast %scan3A_437 : i32 to index
        %get3A_497 = arith.constant 32 : index
        %get3A_498 = tpu.vector_load %arg28[%get3A_496, %get3A_497] {strides = array<i32>} : memref<32x128xf32, #tpu.memory_space<vmem>>, vector<16xf32>,
        %add3A_499 = arith.addf %add3A_495, %get3A_498 : vector<16xf32>
        %swap3A_500 = arith.index_cast %scan3A_437 : i32 to index
        %swap3A_501 = arith.constant 32 : index
        %swap3A_502 = tpu.vector_load %arg44[%swap3A_500, %swap3A_501] {strides = array<i32>} : memref<32x128xf32, #tpu.memory_space<vmem>>, vector<16xf32>,
        tpu.vector_store %arg44[%swap3A_500, %swap3A_501], %add3A_499 {strides = array<i32>} : memref<32x128xf32, #tpu.memory_space<vmem>>, vector<16xf32>,
        %get3A_503 = arith.index_cast %scan3A_437 : i32 to index
        %get3A_504 = arith.constant 48 : index
        %get3A_505 = tpu.vector_load %arg20[%get3A_503, %get3A_504] {strides = array<i32>} : memref<32x128xf32, #tpu.memory_space<vmem>>, vector<16xf32>,
        %get3A_506 = arith.index_cast %scan3A_437 : i32 to index
        %get3A_507 = arith.constant 48 : index
        %get3A_508 = tpu.vector_load %arg22[%get3A_506, %get3A_507] {strides = array<i32>} : memref<32x128xf32, #tpu.memory_space<vmem>>, vector<16xf32>,
        %add3A_509 = arith.addf %get3A_505, %get3A_508 : vector<16xf32>
        %get3A_510 = arith.index_cast %scan3A_437 : i32 to index
        %get3A_511 = arith.constant 48 : index
        %get3A_512 = tpu.vector_load %arg24[%get3A_510, %get3A_511] {strides = array<i32>} : memref<32x128xf32, #tpu.memory_space<vmem>>, vector<16xf32>,
        %add3A_513 = arith.addf %add3A_509, %get3A_512 : vector<16xf32>
        %get3A_514 = arith.index_cast %scan3A_437 : i32 to index
        %get3A_515 = arith.constant 48 : index
        %get3A_516 = tpu.vector_load %arg26[%get3A_514, %get3A_515] {strides = array<i32>} : memref<32x128xf32, #tpu.memory_space<vmem>>, vector<16xf32>,
        %add3A_517 = arith.addf %add3A_513, %get3A_516 : vector<16xf32>
        %get3A_518 = arith.index_cast %scan3A_437 : i32 to index
        %get3A_519 = arith.constant 48 : index
        %get3A_520 = tpu.vector_load %arg28[%get3A_518, %get3A_519] {strides = array<i32>} : memref<32x128xf32, #tpu.memory_space<vmem>>, vector<16xf32>,
        %add3A_521 = arith.addf %add3A_517, %get3A_520 : vector<16xf32>
        %swap3A_522 = arith.index_cast %scan3A_437 : i32 to index
        %swap3A_523 = arith.constant 48 : index
        %swap3A_524 = tpu.vector_load %arg44[%swap3A_522, %swap3A_523] {strides = array<i32>} : memref<32x128xf32, #tpu.memory_space<vmem>>, vector<16xf32>,
        tpu.vector_store %arg44[%swap3A_522, %swap3A_523], %add3A_521 {strides = array<i32>} : memref<32x128xf32, #tpu.memory_space<vmem>>, vector<16xf32>,
        %get3A_525 = arith.index_cast %scan3A_437 : i32 to index
        %get3A_526 = arith.constant 0 : index
        %get3A_527 = tpu.vector_load %arg30[%get3A_525, %get3A_526] {strides = array<i32>} : memref<32x128xf32, #tpu.memory_space<vmem>>, vector<16xf32>,
        %get3A_528 = arith.index_cast %scan3A_437 : i32 to index
        %get3A_529 = arith.constant 0 : index
        %get3A_530 = tpu.vector_load %arg32[%get3A_528, %get3A_529] {strides = array<i32>} : memref<32x128xf32, #tpu.memory_space<vmem>>, vector<16xf32>,
        %add3A_531 = arith.addf %get3A_527, %get3A_530 : vector<16xf32>
        %get3A_532 = arith.index_cast %scan3A_437 : i32 to index
        %get3A_533 = arith.constant 0 : index
        %get3A_534 = tpu.vector_load %arg34[%get3A_532, %get3A_533] {strides = array<i32>} : memref<32x128xf32, #tpu.memory_space<vmem>>, vector<16xf32>,
        %add3A_535 = arith.addf %add3A_531, %get3A_534 : vector<16xf32>
        %get3A_536 = arith.index_cast %scan3A_437 : i32 to index
        %get3A_537 = arith.constant 0 : index
        %get3A_538 = tpu.vector_load %arg36[%get3A_536, %get3A_537] {strides = array<i32>} : memref<32x128xf32, #tpu.memory_space<vmem>>, vector<16xf32>,
        %add3A_539 = arith.addf %add3A_535, %get3A_538 : vector<16xf32>
        %get3A_540 = arith.index_cast %scan3A_437 : i32 to index
        %get3A_541 = arith.constant 0 : index
        %get3A_542 = tpu.vector_load %arg38[%get3A_540, %get3A_541] {strides = array<i32>} : memref<32x128xf32, #tpu.memory_space<vmem>>, vector<16xf32>,
        %add3A_543 = arith.addf %add3A_539, %get3A_542 : vector<16xf32>
        %swap3A_544 = arith.index_cast %scan3A_437 : i32 to index
        %swap3A_545 = arith.constant 64 : index
        %swap3A_546 = tpu.vector_load %arg44[%swap3A_544, %swap3A_545] {strides = array<i32>} : memref<32x128xf32, #tpu.memory_space<vmem>>, vector<16xf32>,
        tpu.vector_store %arg44[%swap3A_544, %swap3A_545], %add3A_543 {strides = array<i32>} : memref<32x128xf32, #tpu.memory_space<vmem>>, vector<16xf32>,
        %get3A_547 = arith.index_cast %scan3A_437 : i32 to index
        %get3A_548 = arith.constant 16 : index
        %get3A_549 = tpu.vector_load %arg30[%get3A_547, %get3A_548] {strides = array<i32>} : memref<32x128xf32, #tpu.memory_space<vmem>>, vector<16xf32>,
        %get3A_550 = arith.index_cast %scan3A_437 : i32 to index
        %get3A_551 = arith.constant 16 : index
        %get3A_552 = tpu.vector_load %arg32[%get3A_550, %get3A_551] {strides = array<i32>} : memref<32x128xf32, #tpu.memory_space<vmem>>, vector<16xf32>,
        %add3A_553 = arith.addf %get3A_549, %get3A_552 : vector<16xf32>
        %get3A_554 = arith.index_cast %scan3A_437 : i32 to index
        %get3A_555 = arith.constant 16 : index
        %get3A_556 = tpu.vector_load %arg34[%get3A_554, %get3A_555] {strides = array<i32>} : memref<32x128xf32, #tpu.memory_space<vmem>>, vector<16xf32>,
        %add3A_557 = arith.addf %add3A_553, %get3A_556 : vector<16xf32>
        %get3A_558 = arith.index_cast %scan3A_437 : i32 to index
        %get3A_559 = arith.constant 16 : index
        %get3A_560 = tpu.vector_load %arg36[%get3A_558, %get3A_559] {strides = array<i32>} : memref<32x128xf32, #tpu.memory_space<vmem>>, vector<16xf32>,
        %add3A_561 = arith.addf %add3A_557, %get3A_560 : vector<16xf32>
        %get3A_562 = arith.index_cast %scan3A_437 : i32 to index
        %get3A_563 = arith.constant 16 : index
        %get3A_564 = tpu.vector_load %arg38[%get3A_562, %get3A_563] {strides = array<i32>} : memref<32x128xf32, #tpu.memory_space<vmem>>, vector<16xf32>,
        %add3A_565 = arith.addf %add3A_561, %get3A_564 : vector<16xf32>
        %swap3A_566 = arith.index_cast %scan3A_437 : i32 to index
        %swap3A_567 = arith.constant 80 : index
        %swap3A_568 = tpu.vector_load %arg44[%swap3A_566, %swap3A_567] {strides = array<i32>} : memref<32x128xf32, #tpu.memory_space<vmem>>, vector<16xf32>,
        tpu.vector_store %arg44[%swap3A_566, %swap3A_567], %add3A_565 {strides = array<i32>} : memref<32x128xf32, #tpu.memory_space<vmem>>, vector<16xf32>,
        %get3A_569 = arith.index_cast %scan3A_437 : i32 to index
        %get3A_570 = arith.constant 32 : index
        %get3A_571 = tpu.vector_load %arg30[%get3A_569, %get3A_570] {strides = array<i32>} : memref<32x128xf32, #tpu.memory_space<vmem>>, vector<16xf32>,
        %get3A_572 = arith.index_cast %scan3A_437 : i32 to index
        %get3A_573 = arith.constant 32 : index
        %get3A_574 = tpu.vector_load %arg32[%get3A_572, %get3A_573] {strides = array<i32>} : memref<32x128xf32, #tpu.memory_space<vmem>>, vector<16xf32>,
        %add3A_575 = arith.addf %get3A_571, %get3A_574 : vector<16xf32>
        %get3A_576 = arith.index_cast %scan3A_437 : i32 to index
        %get3A_577 = arith.constant 32 : index
        %get3A_578 = tpu.vector_load %arg34[%get3A_576, %get3A_577] {strides = array<i32>} : memref<32x128xf32, #tpu.memory_space<vmem>>, vector<16xf32>,
        %add3A_579 = arith.addf %add3A_575, %get3A_578 : vector<16xf32>
        %get3A_580 = arith.index_cast %scan3A_437 : i32 to index
        %get3A_581 = arith.constant 32 : index
        %get3A_582 = tpu.vector_load %arg36[%get3A_580, %get3A_581] {strides = array<i32>} : memref<32x128xf32, #tpu.memory_space<vmem>>, vector<16xf32>,
        %add3A_583 = arith.addf %add3A_579, %get3A_582 : vector<16xf32>
        %get3A_584 = arith.index_cast %scan3A_437 : i32 to index
        %get3A_585 = arith.constant 32 : index
        %get3A_586 = tpu.vector_load %arg38[%get3A_584, %get3A_585] {strides = array<i32>} : memref<32x128xf32, #tpu.memory_space<vmem>>, vector<16xf32>,
        %add3A_587 = arith.addf %add3A_583, %get3A_586 : vector<16xf32>
        %swap3A_588 = arith.index_cast %scan3A_437 : i32 to index
        %swap3A_589 = arith.constant 96 : index
        %swap3A_590 = tpu.vector_load %arg44[%swap3A_588, %swap3A_589] {strides = array<i32>} : memref<32x128xf32, #tpu.memory_space<vmem>>, vector<16xf32>,
        tpu.vector_store %arg44[%swap3A_588, %swap3A_589], %add3A_587 {strides = array<i32>} : memref<32x128xf32, #tpu.memory_space<vmem>>, vector<16xf32>,
        %get3A_591 = arith.index_cast %scan3A_437 : i32 to index
        %get3A_592 = arith.constant 48 : index
        %get3A_593 = tpu.vector_load %arg30[%get3A_591, %get3A_592] {strides = array<i32>} : memref<32x128xf32, #tpu.memory_space<vmem>>, vector<16xf32>,
        %get3A_594 = arith.index_cast %scan3A_437 : i32 to index
        %get3A_595 = arith.constant 48 : index
        %get3A_596 = tpu.vector_load %arg32[%get3A_594, %get3A_595] {strides = array<i32>} : memref<32x128xf32, #tpu.memory_space<vmem>>, vector<16xf32>,
        %add3A_597 = arith.addf %get3A_593, %get3A_596 : vector<16xf32>
        %get3A_598 = arith.index_cast %scan3A_437 : i32 to index
        %get3A_599 = arith.constant 48 : index
        %get3A_600 = tpu.vector_load %arg34[%get3A_598, %get3A_599] {strides = array<i32>} : memref<32x128xf32, #tpu.memory_space<vmem>>, vector<16xf32>,
        %add3A_601 = arith.addf %add3A_597, %get3A_600 : vector<16xf32>
        %get3A_602 = arith.index_cast %scan3A_437 : i32 to index
        %get3A_603 = arith.constant 48 : index
        %get3A_604 = tpu.vector_load %arg36[%get3A_602, %get3A_603] {strides = array<i32>} : memref<32x128xf32, #tpu.memory_space<vmem>>, vector<16xf32>,
        %add3A_605 = arith.addf %add3A_601, %get3A_604 : vector<16xf32>
        %get3A_606 = arith.index_cast %scan3A_437 : i32 to index
        %get3A_607 = arith.constant 48 : index
        %get3A_608 = tpu.vector_load %arg38[%get3A_606, %get3A_607] {strides = array<i32>} : memref<32x128xf32, #tpu.memory_space<vmem>>, vector<16xf32>,
        %add3A_609 = arith.addf %add3A_605, %get3A_608 : vector<16xf32>
        %swap3A_610 = arith.index_cast %scan3A_437 : i32 to index
        %swap3A_611 = arith.constant 112 : index
        %swap3A_612 = tpu.vector_load %arg44[%swap3A_610, %swap3A_611] {strides = array<i32>} : memref<32x128xf32, #tpu.memory_space<vmem>>, vector<16xf32>,
        tpu.vector_store %arg44[%swap3A_610, %swap3A_611], %add3A_609 {strides = array<i32>} : memref<32x128xf32, #tpu.memory_space<vmem>>, vector<16xf32>,
        %scan3A_613 = arith.constant 0 : i32
        scf.yield %scan3A_613 : i32
      }
      %scan3A_425 = arith.constant 32 : i32
      %dma_start3A_426 = arith.constant 0 : i32
      %dma_start3A_427 = tpu.memref_slice %arg4[%add3A_333, %dma_start3A_426] : memref<16384x128xf32, #tpu.memory_space<hbm>> -> memref<32x128xf32, #tpu.memory_space<hbm>>
      %dma_start3A_428 = arith.constant 0 : i32
      %dma_start3A_429 = tpu.memref_slice %arg4[%add3A_333, %dma_start3A_428] : memref<16384x128xf32, #tpu.memory_space<hbm>> -> memref<32x128xf32, #tpu.memory_space<hbm>>
      tpu.enqueue_dma source(%arg44 : memref<32x128xf32, #tpu.memory_space<vmem>>) target(%dma_start3A_429 : memref<32x128xf32, #tpu.memory_space<hbm>>) target_semaphore(%arg48 : memref<!tpu.dma_semaphore, #tpu.memory_space<semaphore_mem>>)
      %add3A_430 = arith.constant 2 : i32
      %add3A_431 = arith.addi %add3A_330, %add3A_430 : i32
      %lt3A_432 = arith.constant 16 : i32
      %lt3A_433 = arith.cmpi slt, %add3A_431, %lt3A_432 : i32
      %convert_element_type3A_434 = arith.extui %lt3A_433 : i1 to i32
      %cond3A_435 = arith.constant 0 : i32
      %cond3A_436 = arith.cmpi ne, %convert_element_type3A_434, %cond3A_435 : i32
      scf.if %cond3A_436 {
        %add3A_437 = arith.constant 2 : i32
        %add3A_438 = arith.addi %add3A_330, %add3A_437 : i32
        %mul3A_439 = arith.constant 32 : i32
        %mul3A_440 = arith.muli %add3A_438, %mul3A_439 : i32
        %dma_start3A_441 = tpu.memref_slice %arg7[%mul3A_440] : memref<512xi32, #tpu.memory_space<vmem>> -> memref<32xi32, #tpu.memory_space<vmem>>
        %dma_start3A_442 = arith.constant 0 : i32
        %dma_start3A_443 = arith.constant 0 : i32
        %dma_start3A_444 = tpu.memref_slice %arg3[%dma_start3A_442, %dma_start3A_443] : memref<100001x128xf32, #tpu.memory_space<hbm>> -> memref<100001x128xf32, #tpu.memory_space<hbm>>
        tpu.enqueue_indirect_dma source(%dma_start3A_444 : memref<100001x128xf32, #tpu.memory_space<hbm>>) target(%arg20 : memref<32x128xf32, #tpu.memory_space<vmem>>) offsets(%dma_start3A_441 : memref<32xi32, #tpu.memory_space<vmem>>) semaphore(%arg46 : memref<!tpu.dma_semaphore, #tpu.memory_space<semaphore_mem>>)
        %mul3A_445 = arith.constant 32 : i32
        %mul3A_446 = arith.muli %add3A_438, %mul3A_445 : i32
        %dma_start3A_447 = tpu.memref_slice %arg8[%mul3A_446] : memref<512xi32, #tpu.memory_space<vmem>> -> memref<32xi32, #tpu.memory_space<vmem>>
        %dma_start3A_448 = arith.constant 0 : i32
        %dma_start3A_449 = arith.constant 0 : i32
        %dma_start3A_450 = tpu.memref_slice %arg3[%dma_start3A_448, %dma_start3A_449] : memref<100001x128xf32, #tpu.memory_space<hbm>> -> memref<100001x128xf32, #tpu.memory_space<hbm>>
        tpu.enqueue_indirect_dma source(%dma_start3A_450 : memref<100001x128xf32, #tpu.memory_space<hbm>>) target(%arg22 : memref<32x128xf32, #tpu.memory_space<vmem>>) offsets(%dma_start3A_447 : memref<32xi32, #tpu.memory_space<vmem>>) semaphore(%arg46 : memref<!tpu.dma_semaphore, #tpu.memory_space<semaphore_mem>>)
        %mul3A_451 = arith.constant 32 : i32
        %mul3A_452 = arith.muli %add3A_438, %mul3A_451 : i32
        %dma_start3A_453 = tpu.memref_slice %arg9[%mul3A_452] : memref<512xi32, #tpu.memory_space<vmem>> -> memref<32xi32, #tpu.memory_space<vmem>>
        %dma_start3A_454 = arith.constant 0 : i32
        %dma_start3A_455 = arith.constant 0 : i32
        %dma_start3A_456 = tpu.memref_slice %arg3[%dma_start3A_454, %dma_start3A_455] : memref<100001x128xf32, #tpu.memory_space<hbm>> -> memref<100001x128xf32, #tpu.memory_space<hbm>>
        tpu.enqueue_indirect_dma source(%dma_start3A_456 : memref<100001x128xf32, #tpu.memory_space<hbm>>) target(%arg24 : memref<32x128xf32, #tpu.memory_space<vmem>>) offsets(%dma_start3A_453 : memref<32xi32, #tpu.memory_space<vmem>>) semaphore(%arg46 : memref<!tpu.dma_semaphore, #tpu.memory_space<semaphore_mem>>)
        %mul3A_457 = arith.constant 32 : i32
        %mul3A_458 = arith.muli %add3A_438, %mul3A_457 : i32
        %dma_start3A_459 = tpu.memref_slice %arg10[%mul3A_458] : memref<512xi32, #tpu.memory_space<vmem>> -> memref<32xi32, #tpu.memory_space<vmem>>
        %dma_start3A_460 = arith.constant 0 : i32
        %dma_start3A_461 = arith.constant 0 : i32
        %dma_start3A_462 = tpu.memref_slice %arg3[%dma_start3A_460, %dma_start3A_461] : memref<100001x128xf32, #tpu.memory_space<hbm>> -> memref<100001x128xf32, #tpu.memory_space<hbm>>
        tpu.enqueue_indirect_dma source(%dma_start3A_462 : memref<100001x128xf32, #tpu.memory_space<hbm>>) target(%arg26 : memref<32x128xf32, #tpu.memory_space<vmem>>) offsets(%dma_start3A_459 : memref<32xi32, #tpu.memory_space<vmem>>) semaphore(%arg46 : memref<!tpu.dma_semaphore, #tpu.memory_space<semaphore_mem>>)
        %mul3A_463 = arith.constant 32 : i32
        %mul3A_464 = arith.muli %add3A_438, %mul3A_463 : i32
        %dma_start3A_465 = tpu.memref_slice %arg11[%mul3A_464] : memref<512xi32, #tpu.memory_space<vmem>> -> memref<32xi32, #tpu.memory_space<vmem>>
        %dma_start3A_466 = arith.constant 0 : i32
        %dma_start3A_467 = arith.constant 0 : i32
        %dma_start3A_468 = tpu.memref_slice %arg3[%dma_start3A_466, %dma_start3A_467] : memref<100001x128xf32, #tpu.memory_space<hbm>> -> memref<100001x128xf32, #tpu.memory_space<hbm>>
        tpu.enqueue_indirect_dma source(%dma_start3A_468 : memref<100001x128xf32, #tpu.memory_space<hbm>>) target(%arg28 : memref<32x128xf32, #tpu.memory_space<vmem>>) offsets(%dma_start3A_465 : memref<32xi32, #tpu.memory_space<vmem>>) semaphore(%arg46 : memref<!tpu.dma_semaphore, #tpu.memory_space<semaphore_mem>>)
        %mul3A_469 = arith.constant 32 : i32
        %mul3A_470 = arith.muli %add3A_438, %mul3A_469 : i32
        %dma_start3A_471 = tpu.memref_slice %arg12[%mul3A_470] : memref<512xi32, #tpu.memory_space<vmem>> -> memref<32xi32, #tpu.memory_space<vmem>>
        %dma_start3A_472 = arith.constant 0 : i32
        %dma_start3A_473 = arith.constant 0 : i32
        %dma_start3A_474 = tpu.memref_slice %arg3[%dma_start3A_472, %dma_start3A_473] : memref<100001x128xf32, #tpu.memory_space<hbm>> -> memref<100001x128xf32, #tpu.memory_space<hbm>>
        tpu.enqueue_indirect_dma source(%dma_start3A_474 : memref<100001x128xf32, #tpu.memory_space<hbm>>) target(%arg30 : memref<32x128xf32, #tpu.memory_space<vmem>>) offsets(%dma_start3A_471 : memref<32xi32, #tpu.memory_space<vmem>>) semaphore(%arg46 : memref<!tpu.dma_semaphore, #tpu.memory_space<semaphore_mem>>)
        %mul3A_475 = arith.constant 32 : i32
        %mul3A_476 = arith.muli %add3A_438, %mul3A_475 : i32
        %dma_start3A_477 = tpu.memref_slice %arg13[%mul3A_476] : memref<512xi32, #tpu.memory_space<vmem>> -> memref<32xi32, #tpu.memory_space<vmem>>
        %dma_start3A_478 = arith.constant 0 : i32
        %dma_start3A_479 = arith.constant 0 : i32
        %dma_start3A_480 = tpu.memref_slice %arg3[%dma_start3A_478, %dma_start3A_479] : memref<100001x128xf32, #tpu.memory_space<hbm>> -> memref<100001x128xf32, #tpu.memory_space<hbm>>
        tpu.enqueue_indirect_dma source(%dma_start3A_480 : memref<100001x128xf32, #tpu.memory_space<hbm>>) target(%arg32 : memref<32x128xf32, #tpu.memory_space<vmem>>) offsets(%dma_start3A_477 : memref<32xi32, #tpu.memory_space<vmem>>) semaphore(%arg46 : memref<!tpu.dma_semaphore, #tpu.memory_space<semaphore_mem>>)
        %mul3A_481 = arith.constant 32 : i32
        %mul3A_482 = arith.muli %add3A_438, %mul3A_481 : i32
        %dma_start3A_483 = tpu.memref_slice %arg14[%mul3A_482] : memref<512xi32, #tpu.memory_space<vmem>> -> memref<32xi32, #tpu.memory_space<vmem>>
        %dma_start3A_484 = arith.constant 0 : i32
        %dma_start3A_485 = arith.constant 0 : i32
        %dma_start3A_486 = tpu.memref_slice %arg3[%dma_start3A_484, %dma_start3A_485] : memref<100001x128xf32, #tpu.memory_space<hbm>> -> memref<100001x128xf32, #tpu.memory_space<hbm>>
        tpu.enqueue_indirect_dma source(%dma_start3A_486 : memref<100001x128xf32, #tpu.memory_space<hbm>>) target(%arg34 : memref<32x128xf32, #tpu.memory_space<vmem>>) offsets(%dma_start3A_483 : memref<32xi32, #tpu.memory_space<vmem>>) semaphore(%arg46 : memref<!tpu.dma_semaphore, #tpu.memory_space<semaphore_mem>>)
        %mul3A_487 = arith.constant 32 : i32
        %mul3A_488 = arith.muli %add3A_438, %mul3A_487 : i32
        %dma_start3A_489 = tpu.memref_slice %arg15[%mul3A_488] : memref<512xi32, #tpu.memory_space<vmem>> -> memref<32xi32, #tpu.memory_space<vmem>>
        %dma_start3A_490 = arith.constant 0 : i32
        %dma_start3A_491 = arith.constant 0 : i32
        %dma_start3A_492 = tpu.memref_slice %arg3[%dma_start3A_490, %dma_start3A_491] : memref<100001x128xf32, #tpu.memory_space<hbm>> -> memref<100001x128xf32, #tpu.memory_space<hbm>>
        tpu.enqueue_indirect_dma source(%dma_start3A_492 : memref<100001x128xf32, #tpu.memory_space<hbm>>) target(%arg36 : memref<32x128xf32, #tpu.memory_space<vmem>>) offsets(%dma_start3A_489 : memref<32xi32, #tpu.memory_space<vmem>>) semaphore(%arg46 : memref<!tpu.dma_semaphore, #tpu.memory_space<semaphore_mem>>)
        %mul3A_493 = arith.constant 32 : i32
        %mul3A_494 = arith.muli %add3A_438, %mul3A_493 : i32
        %dma_start3A_495 = tpu.memref_slice %arg16[%mul3A_494] : memref<512xi32, #tpu.memory_space<vmem>> -> memref<32xi32, #tpu.memory_space<vmem>>
        %dma_start3A_496 = arith.constant 0 : i32
        %dma_start3A_497 = arith.constant 0 : i32
        %dma_start3A_498 = tpu.memref_slice %arg3[%dma_start3A_496, %dma_start3A_497] : memref<100001x128xf32, #tpu.memory_space<hbm>> -> memref<100001x128xf32, #tpu.memory_space<hbm>>
        tpu.enqueue_indirect_dma source(%dma_start3A_498 : memref<100001x128xf32, #tpu.memory_space<hbm>>) target(%arg38 : memref<32x128xf32, #tpu.memory_space<vmem>>) offsets(%dma_start3A_495 : memref<32xi32, #tpu.memory_space<vmem>>) semaphore(%arg46 : memref<!tpu.dma_semaphore, #tpu.memory_space<semaphore_mem>>)
        %dma_wait3A_499 = arith.constant 0 : i32
        %dma_wait3A_500 = tpu.memref_slice %arg5[%mul3A_2, %dma_wait3A_499] : memref<16384x128xf32, #tpu.memory_space<hbm>> -> memref<32x128xf32, #tpu.memory_space<hbm>>
        %dma_wait3A_501 = arith.constant 0 : i32
        %dma_wait3A_502 = tpu.memref_slice %arg5[%mul3A_2, %dma_wait3A_501] : memref<16384x128xf32, #tpu.memory_space<hbm>> -> memref<32x128xf32, #tpu.memory_space<hbm>>
        tpu.wait_dma2 semaphore(%arg50 : memref<!tpu.dma_semaphore, #tpu.memory_space<semaphore_mem>>) src(%arg20 : memref<32x128xf32, #tpu.memory_space<vmem>>) dst(%dma_wait3A_502 : memref<32x128xf32, #tpu.memory_space<hbm>>)
        %dma_wait3A_503 = arith.constant 0 : i32
        %dma_wait3A_504 = tpu.memref_slice %arg6[%mul3A_2, %dma_wait3A_503] : memref<16384x128xf32, #tpu.memory_space<hbm>> -> memref<32x128xf32, #tpu.memory_space<hbm>>
        %dma_wait3A_505 = arith.constant 0 : i32
        %dma_wait3A_506 = tpu.memref_slice %arg6[%mul3A_2, %dma_wait3A_505] : memref<16384x128xf32, #tpu.memory_space<hbm>> -> memref<32x128xf32, #tpu.memory_space<hbm>>
        tpu.wait_dma2 semaphore(%arg50 : memref<!tpu.dma_semaphore, #tpu.memory_space<semaphore_mem>>) src(%arg20 : memref<32x128xf32, #tpu.memory_space<vmem>>) dst(%dma_wait3A_506 : memref<32x128xf32, #tpu.memory_space<hbm>>)
        %add3A_507 = arith.constant 2 : i32
        %add3A_508 = arith.addi %add3A_330, %add3A_507 : i32
        %mul3A_509 = arith.constant 32 : i32
        %mul3A_510 = arith.muli %add3A_508, %mul3A_509 : i32
        %dma_start3A_511 = tpu.memref_slice %arg17[%mul3A_510] : memref<512xi32, #tpu.memory_space<vmem>> -> memref<32xi32, #tpu.memory_space<vmem>>
        %dma_start3A_512 = arith.constant 0 : i32
        %dma_start3A_513 = arith.constant 0 : i32
        %dma_start3A_514 = tpu.memref_slice %arg3[%dma_start3A_512, %dma_start3A_513] : memref<100001x128xf32, #tpu.memory_space<hbm>> -> memref<100001x128xf32, #tpu.memory_space<hbm>>
        tpu.enqueue_indirect_dma source(%dma_start3A_514 : memref<100001x128xf32, #tpu.memory_space<hbm>>) target(%arg40 : memref<32x128xf32, #tpu.memory_space<vmem>>) offsets(%dma_start3A_511 : memref<32xi32, #tpu.memory_space<vmem>>) semaphore(%arg46 : memref<!tpu.dma_semaphore, #tpu.memory_space<semaphore_mem>>)
        %mul3A_515 = arith.constant 32 : i32
        %mul3A_516 = arith.muli %add3A_508, %mul3A_515 : i32
        %dma_start3A_517 = tpu.memref_slice %arg18[%mul3A_516] : memref<512xi32, #tpu.memory_space<vmem>> -> memref<32xi32, #tpu.memory_space<vmem>>
        %dma_start3A_518 = arith.constant 0 : i32
        %dma_start3A_519 = arith.constant 0 : i32
        %dma_start3A_520 = tpu.memref_slice %arg3[%dma_start3A_518, %dma_start3A_519] : memref<100001x128xf32, #tpu.memory_space<hbm>> -> memref<100001x128xf32, #tpu.memory_space<hbm>>
        tpu.enqueue_indirect_dma source(%dma_start3A_520 : memref<100001x128xf32, #tpu.memory_space<hbm>>) target(%arg42 : memref<32x128xf32, #tpu.memory_space<vmem>>) offsets(%dma_start3A_517 : memref<32xi32, #tpu.memory_space<vmem>>) semaphore(%arg46 : memref<!tpu.dma_semaphore, #tpu.memory_space<semaphore_mem>>)
      } else {
      }
    }
    %scan3A_197 = arith.constant 8 : i32
    %dma_wait3A_198 = arith.constant 0 : i32
    %dma_wait3A_199 = tpu.memref_slice %arg4[%mul3A_2, %dma_wait3A_198] : memref<16384x128xf32, #tpu.memory_space<hbm>> -> memref<32x128xf32, #tpu.memory_space<hbm>>
    %dma_wait3A_200 = arith.constant 0 : i32
    %dma_wait3A_201 = tpu.memref_slice %arg4[%mul3A_2, %dma_wait3A_200] : memref<16384x128xf32, #tpu.memory_space<hbm>> -> memref<32x128xf32, #tpu.memory_space<hbm>>
    tpu.wait_dma2 semaphore(%arg47 : memref<!tpu.dma_semaphore, #tpu.memory_space<semaphore_mem>>) src(%arg43 : memref<32x128xf32, #tpu.memory_space<vmem>>) dst(%dma_wait3A_201 : memref<32x128xf32, #tpu.memory_space<hbm>>)
    %dma_wait3A_202 = arith.constant 0 : i32
    %dma_wait3A_203 = tpu.memref_slice %arg5[%mul3A_2, %dma_wait3A_202] : memref<16384x128xf32, #tpu.memory_space<hbm>> -> memref<32x128xf32, #tpu.memory_space<hbm>>
    %dma_wait3A_204 = arith.constant 0 : i32
    %dma_wait3A_205 = tpu.memref_slice %arg5[%mul3A_2, %dma_wait3A_204] : memref<16384x128xf32, #tpu.memory_space<hbm>> -> memref<32x128xf32, #tpu.memory_space<hbm>>
    tpu.wait_dma2 semaphore(%arg49 : memref<!tpu.dma_semaphore, #tpu.memory_space<semaphore_mem>>) src(%arg19 : memref<32x128xf32, #tpu.memory_space<vmem>>) dst(%dma_wait3A_205 : memref<32x128xf32, #tpu.memory_space<hbm>>)
    %dma_wait3A_206 = arith.constant 0 : i32
    %dma_wait3A_207 = tpu.memref_slice %arg6[%mul3A_2, %dma_wait3A_206] : memref<16384x128xf32, #tpu.memory_space<hbm>> -> memref<32x128xf32, #tpu.memory_space<hbm>>
    %dma_wait3A_208 = arith.constant 0 : i32
    %dma_wait3A_209 = tpu.memref_slice %arg6[%mul3A_2, %dma_wait3A_208] : memref<16384x128xf32, #tpu.memory_space<hbm>> -> memref<32x128xf32, #tpu.memory_space<hbm>>
    tpu.wait_dma2 semaphore(%arg49 : memref<!tpu.dma_semaphore, #tpu.memory_space<semaphore_mem>>) src(%arg19 : memref<32x128xf32, #tpu.memory_space<vmem>>) dst(%dma_wait3A_209 : memref<32x128xf32, #tpu.memory_space<hbm>>)
    %dma_wait3A_210 = arith.constant 0 : i32
    %dma_wait3A_211 = tpu.memref_slice %arg4[%mul3A_2, %dma_wait3A_210] : memref<16384x128xf32, #tpu.memory_space<hbm>> -> memref<32x128xf32, #tpu.memory_space<hbm>>
    %dma_wait3A_212 = arith.constant 0 : i32
    %dma_wait3A_213 = tpu.memref_slice %arg4[%mul3A_2, %dma_wait3A_212] : memref<16384x128xf32, #tpu.memory_space<hbm>> -> memref<32x128xf32, #tpu.memory_space<hbm>>
    tpu.wait_dma2 semaphore(%arg48 : memref<!tpu.dma_semaphore, #tpu.memory_space<semaphore_mem>>) src(%arg44 : memref<32x128xf32, #tpu.memory_space<vmem>>) dst(%dma_wait3A_213 : memref<32x128xf32, #tpu.memory_space<hbm>>)
    %dma_wait3A_214 = arith.constant 0 : i32
    %dma_wait3A_215 = tpu.memref_slice %arg5[%mul3A_2, %dma_wait3A_214] : memref<16384x128xf32, #tpu.memory_space<hbm>> -> memref<32x128xf32, #tpu.memory_space<hbm>>
    %dma_wait3A_216 = arith.constant 0 : i32
    %dma_wait3A_217 = tpu.memref_slice %arg5[%mul3A_2, %dma_wait3A_216] : memref<16384x128xf32, #tpu.memory_space<hbm>> -> memref<32x128xf32, #tpu.memory_space<hbm>>
    tpu.wait_dma2 semaphore(%arg50 : memref<!tpu.dma_semaphore, #tpu.memory_space<semaphore_mem>>) src(%arg20 : memref<32x128xf32, #tpu.memory_space<vmem>>) dst(%dma_wait3A_217 : memref<32x128xf32, #tpu.memory_space<hbm>>)
    %dma_wait3A_218 = arith.constant 0 : i32
    %dma_wait3A_219 = tpu.memref_slice %arg6[%mul3A_2, %dma_wait3A_218] : memref<16384x128xf32, #tpu.memory_space<hbm>> -> memref<32x128xf32, #tpu.memory_space<hbm>>
    %dma_wait3A_220 = arith.constant 0 : i32
    %dma_wait3A_221 = tpu.memref_slice %arg6[%mul3A_2, %dma_wait3A_220] : memref<16384x128xf32, #tpu.memory_space<hbm>> -> memref<32x128xf32, #tpu.memory_space<hbm>>
    tpu.wait_dma2 semaphore(%arg50 : memref<!tpu.dma_semaphore, #tpu.memory_space<semaphore_mem>>) src(%arg20 : memref<32x128xf32, #tpu.memory_space<vmem>>) dst(%dma_wait3A_221 : memref<32x128xf32, #tpu.memory_space<hbm>>)
    return
  }
}

module attributes {stable_mosaic.version = 14 : i64} {
  func.func @_tc_body(%arg0: i32, %arg1: memref<2048x128xf32, #tpu.memory_space<vmem>>, %arg2: memref<2048x128xf32, #tpu.memory_space<vmem>>, %arg3: memref<2048x128xf32, #tpu.memory_space<vmem>>, %arg4: memref<128x64xf32, #tpu.memory_space<vmem>>, %arg5: memref<1x64xf32, #tpu.memory_space<vmem>>, %arg6: memref<1x64xf32, #tpu.memory_space<vmem>>, %arg7: memref<1x64xf32, #tpu.memory_space<vmem>>, %arg8: memref<64x64xf32, #tpu.memory_space<vmem>>, %arg9: memref<1x64xf32, #tpu.memory_space<vmem>>, %arg10: memref<2048xf32, #tpu.memory_space<vmem>>, %arg11: memref<2048xf32, #tpu.memory_space<vmem>>) attributes {dimension_semantics = [#tpu.dimension_semantics<arbitrary>], iteration_bounds = array<i64: 8>, scalar_prefetch = 0 : i64, scratch_operands = 0 : i64, tpu.core_type = #tpu.core_type<tc>, window_params = [{transform_indices = @transform_0, window_bounds = array<i64: 2048, 128>}, {transform_indices = @transform_1, window_bounds = array<i64: 2048, 128>}, {transform_indices = @transform_2, window_bounds = array<i64: 2048, 128>}, {pipeline_mode = #tpu.pipeline_mode<synchronous>, transform_indices = @transform_3, window_bounds = array<i64: 128, 64>}, {pipeline_mode = #tpu.pipeline_mode<synchronous>, transform_indices = @transform_4, window_bounds = array<i64: 1, 64>}, {pipeline_mode = #tpu.pipeline_mode<synchronous>, transform_indices = @transform_5, window_bounds = array<i64: 1, 64>}, {pipeline_mode = #tpu.pipeline_mode<synchronous>, transform_indices = @transform_6, window_bounds = array<i64: 1, 64>}, {pipeline_mode = #tpu.pipeline_mode<synchronous>, transform_indices = @transform_7, window_bounds = array<i64: 64, 64>}, {pipeline_mode = #tpu.pipeline_mode<synchronous>, transform_indices = @transform_8, window_bounds = array<i64: 1, 64>}, {transform_indices = @transform_9, window_bounds = array<i64: 2048>}, {transform_indices = @transform_10, window_bounds = array<i64: 2048>}]} {
    %get3A = arith.constant 0 : index
    %get3A_0 = arith.constant 0 : index
    %get3A_1 = vector.load %arg1[%get3A, %get3A_0] : memref<2048x128xf32, #tpu.memory_space<vmem>>, vector<2048x128xf32>
    %get3A_2 = arith.constant 0 : index
    %get3A_3 = arith.constant 0 : index
    %get3A_4 = vector.load %arg4[%get3A_2, %get3A_3] : memref<128x64xf32, #tpu.memory_space<vmem>>, vector<128x64xf32>
    %dot_general3A = arith.constant dense<0.000000e+00> : vector<2048x64xf32>
    %dot_general3A_5 = tpu.matmul %get3A_1, %get3A_4, %dot_general3A {dimension_numbers = #tpu.dot_dimension_numbers<[1], [0], [0], [1], [0, 0, 1, 1], [], []>, transpose_lhs_hint = false} : vector<2048x128xf32>, vector<128x64xf32>, vector<2048x64xf32> -> vector<2048x64xf32>
    %get3A_6 = arith.constant 0 : index
    %get3A_7 = arith.constant 0 : index
    %get3A_8 = vector.load %arg5[%get3A_6, %get3A_7] : memref<1x64xf32, #tpu.memory_space<vmem>>, vector<1x64xf32>
    %add3A = vector.broadcast %get3A_8 : vector<1x64xf32> to vector<2048x64xf32>
    %add3A_9 = arith.addf %dot_general3A_5, %add3A : vector<2048x64xf32>
    %reduce_sum3A = arith.constant dense<0.000000e+00> : vector<2048xf32>
    %reduce_sum3A_10 = vector.multi_reduction <add>, %add3A_9, %reduce_sum3A [1] : vector<2048x64xf32> to vector<2048xf32>
    %broadcast_in_dim3A = vector.shape_cast %reduce_sum3A_10 : vector<2048xf32> to vector<2048x1xf32>
    %div3A = arith.constant 6.400000e+01 : f32
    %div3A_11 = vector.broadcast %div3A : f32 to vector<2048x1xf32>
    %div3A_12 = arith.divf %broadcast_in_dim3A, %div3A_11 : vector<2048x1xf32>
    %sub3A = vector.broadcast %div3A_12 : vector<2048x1xf32> to vector<2048x64xf32>
    %sub3A_13 = arith.subf %add3A_9, %sub3A : vector<2048x64xf32>
    %integer_pow3A = arith.mulf %sub3A_13, %sub3A_13 : vector<2048x64xf32>
    %reduce_sum3A_14 = arith.constant dense<0.000000e+00> : vector<2048xf32>
    %reduce_sum3A_15 = vector.multi_reduction <add>, %integer_pow3A, %reduce_sum3A_14 [1] : vector<2048x64xf32> to vector<2048xf32>
    %broadcast_in_dim3A_16 = vector.shape_cast %reduce_sum3A_15 : vector<2048xf32> to vector<2048x1xf32>
    %div3A_17 = arith.constant 6.400000e+01 : f32
    %div3A_18 = vector.broadcast %div3A_17 : f32 to vector<2048x1xf32>
    %div3A_19 = arith.divf %broadcast_in_dim3A_16, %div3A_18 : vector<2048x1xf32>
    %sub3A_20 = vector.broadcast %div3A_12 : vector<2048x1xf32> to vector<2048x64xf32>
    %sub3A_21 = arith.subf %add3A_9, %sub3A_20 : vector<2048x64xf32>
    %add3A_22 = arith.constant 9.99999974E-6 : f32
    %add3A_23 = vector.broadcast %add3A_22 : f32 to vector<2048x1xf32>
    %add3A_24 = arith.addf %div3A_19, %add3A_23 : vector<2048x1xf32>
    %rsqrt3A = math.rsqrt %add3A_24 : vector<2048x1xf32>
    %mul3A = vector.broadcast %rsqrt3A : vector<2048x1xf32> to vector<2048x64xf32>
    %mul3A_25 = arith.mulf %sub3A_21, %mul3A : vector<2048x64xf32>
    %get3A_26 = arith.constant 0 : index
    %get3A_27 = arith.constant 0 : index
    %get3A_28 = vector.load %arg6[%get3A_26, %get3A_27] : memref<1x64xf32, #tpu.memory_space<vmem>>, vector<1x64xf32>
    %mul3A_29 = vector.broadcast %get3A_28 : vector<1x64xf32> to vector<2048x64xf32>
    %mul3A_30 = arith.mulf %mul3A_25, %mul3A_29 : vector<2048x64xf32>
    %get3A_31 = arith.constant 0 : index
    %get3A_32 = arith.constant 0 : index
    %get3A_33 = vector.load %arg7[%get3A_31, %get3A_32] : memref<1x64xf32, #tpu.memory_space<vmem>>, vector<1x64xf32>
    %add3A_34 = vector.broadcast %get3A_33 : vector<1x64xf32> to vector<2048x64xf32>
    %add3A_35 = arith.addf %mul3A_30, %add3A_34 : vector<2048x64xf32>
    %max3A = arith.constant 0.000000e+00 : f32
    %max3A_36 = vector.broadcast %max3A : f32 to vector<2048x64xf32>
    %max3A_37 = arith.maximumf %add3A_35, %max3A_36 : vector<2048x64xf32>
    %get3A_38 = arith.constant 0 : index
    %get3A_39 = arith.constant 0 : index
    %get3A_40 = vector.load %arg8[%get3A_38, %get3A_39] : memref<64x64xf32, #tpu.memory_space<vmem>>, vector<64x64xf32>
    %dot_general3A_41 = arith.constant dense<0.000000e+00> : vector<2048x64xf32>
    %dot_general3A_42 = tpu.matmul %max3A_37, %get3A_40, %dot_general3A_41 {dimension_numbers = #tpu.dot_dimension_numbers<[1], [0], [0], [1], [0, 0, 1, 1], [], []>, transpose_lhs_hint = false} : vector<2048x64xf32>, vector<64x64xf32>, vector<2048x64xf32> -> vector<2048x64xf32>
    %get3A_43 = arith.constant 0 : index
    %get3A_44 = arith.constant 0 : index
    %get3A_45 = vector.load %arg9[%get3A_43, %get3A_44] : memref<1x64xf32, #tpu.memory_space<vmem>>, vector<1x64xf32>
    %add3A_46 = vector.broadcast %get3A_45 : vector<1x64xf32> to vector<2048x64xf32>
    %add3A_47 = arith.addf %dot_general3A_42, %add3A_46 : vector<2048x64xf32>
    %get3A_48 = arith.constant 0 : index
    %get3A_49 = arith.constant 0 : index
    %get3A_50 = vector.load %arg2[%get3A_48, %get3A_49] : memref<2048x128xf32, #tpu.memory_space<vmem>>, vector<2048x64xf32>
    %mul3A_51 = arith.mulf %add3A_47, %get3A_50 : vector<2048x64xf32>
    %reduce_sum3A_52 = arith.constant dense<0.000000e+00> : vector<2048xf32>
    %reduce_sum3A_53 = vector.multi_reduction <add>, %mul3A_51, %reduce_sum3A_52 [1] : vector<2048x64xf32> to vector<2048xf32>
    %swap3A = arith.constant 0 : index
    %swap3A_54 = vector.load %arg10[%swap3A] : memref<2048xf32, #tpu.memory_space<vmem>>, vector<2048xf32>
    tpu.vector_store %arg10[%swap3A], %reduce_sum3A_53 {strides = array<i32>} : memref<2048xf32, #tpu.memory_space<vmem>>, vector<2048xf32>,
    %get3A_55 = arith.constant 0 : index
    %get3A_56 = arith.constant 0 : index
    %get3A_57 = vector.load %arg3[%get3A_55, %get3A_56] : memref<2048x128xf32, #tpu.memory_space<vmem>>, vector<2048x64xf32>
    %mul3A_58 = arith.mulf %add3A_47, %get3A_57 : vector<2048x64xf32>
    %reduce_sum3A_59 = arith.constant dense<0.000000e+00> : vector<2048xf32>
    %reduce_sum3A_60 = vector.multi_reduction <add>, %mul3A_58, %reduce_sum3A_59 [1] : vector<2048x64xf32> to vector<2048xf32>
    %swap3A_61 = arith.constant 0 : index
    %swap3A_62 = vector.load %arg11[%swap3A_61] : memref<2048xf32, #tpu.memory_space<vmem>>, vector<2048xf32>
    tpu.vector_store %arg11[%swap3A_61], %reduce_sum3A_60 {strides = array<i32>} : memref<2048xf32, #tpu.memory_space<vmem>>, vector<2048xf32>,
    return
  }
  func.func @transform_0(%arg0: i32) -> (i32, i32) {
    %c0_i32 = arith.constant 0 : i32
    %c0_i32_0 = arith.constant 0 : i32
    return %arg0, %c0_i32 : i32, i32
  }
  func.func @transform_1(%arg0: i32) -> (i32, i32) {
    %c0_i32 = arith.constant 0 : i32
    %c0_i32_0 = arith.constant 0 : i32
    return %arg0, %c0_i32 : i32, i32
  }
  func.func @transform_2(%arg0: i32) -> (i32, i32) {
    %c0_i32 = arith.constant 0 : i32
    %c0_i32_0 = arith.constant 0 : i32
    return %arg0, %c0_i32 : i32, i32
  }
  func.func @transform_3(%arg0: i32) -> (i32, i32) {
    %c0_i32 = arith.constant 0 : i32
    %c0_i32_0 = arith.constant 0 : i32
    %c0_i32_1 = arith.constant 0 : i32
    return %c0_i32, %c0_i32_0 : i32, i32
  }
  func.func @transform_4(%arg0: i32) -> (i32, i32) {
    %c0_i32 = arith.constant 0 : i32
    %c0_i32_0 = arith.constant 0 : i32
    %c0_i32_1 = arith.constant 0 : i32
    return %c0_i32, %c0_i32_0 : i32, i32
  }
  func.func @transform_5(%arg0: i32) -> (i32, i32) {
    %c0_i32 = arith.constant 0 : i32
    %c0_i32_0 = arith.constant 0 : i32
    %c0_i32_1 = arith.constant 0 : i32
    return %c0_i32, %c0_i32_0 : i32, i32
  }
  func.func @transform_6(%arg0: i32) -> (i32, i32) {
    %c0_i32 = arith.constant 0 : i32
    %c0_i32_0 = arith.constant 0 : i32
    %c0_i32_1 = arith.constant 0 : i32
    return %c0_i32, %c0_i32_0 : i32, i32
  }
  func.func @transform_7(%arg0: i32) -> (i32, i32) {
    %c0_i32 = arith.constant 0 : i32
    %c0_i32_0 = arith.constant 0 : i32
    %c0_i32_1 = arith.constant 0 : i32
    return %c0_i32, %c0_i32_0 : i32, i32
  }
  func.func @transform_8(%arg0: i32) -> (i32, i32) {
    %c0_i32 = arith.constant 0 : i32
    %c0_i32_0 = arith.constant 0 : i32
    %c0_i32_1 = arith.constant 0 : i32
    return %c0_i32, %c0_i32_0 : i32, i32
  }
  func.func @transform_9(%arg0: i32) -> i32 {
    %c0_i32 = arith.constant 0 : i32
    return %arg0 : i32
  }
  func.func @transform_10(%arg0: i32) -> i32 {
    %c0_i32 = arith.constant 0 : i32
    return %arg0 : i32
  }
}

</mosaic_0001>

<sc_bundles>
// kernel: sc_gather_pool.3.cloned.1.call-start
scs
__scs_entry_jumppad:
0x0: {  	(pc) =	sbr.rel $0x88, $3  }
0x1: {  	(tag) =	ssettag $0x0;
	lr =	simm.s32 $0x1  }
0x2: {  	[smem:$0x3F96] =	sst lr;
	_ =	strace $0xD0000000  }
0x3: {  	_ = 	snop  }
0x4: {  	_ = 	snop  }
0x5: {  	_ = 	snop  }
0x6: {  	_ = 	snop  }
0x7: {  	_ = 	snop  }
__scs_overlays_trampoline_lowered:
0x8: {  	[smem:$0x3FA5] =	sst s0  }
0x9: {  	[smem:$0x3FA6] =	sst s1  }
0xa: {  	[smem:$0x3FA7] =	sst s2  }
0xb: {  	[smem:$0x3FA8] =	sst s3  }
0xc: {  	[smem:$0x3FA9] =	sst s4  }
0xd: {  	[smem:$0x3FAA] =	sst s5  }
0xe: {  	[smem:$0x3FAB] =	sst s6  }
0xf: {  	[smem:$0x3FAC] =	sst s7  }
0x10: {  	[smem:$0x3FAD] =	sst s8  }
0x11: {  	[smem:$0x3FAE] =	sst s9;
	s0 =	simm.s32 @!p0 $0x0  }
0x12: {  	s1 =	sld [smem:$0x3F94];
	s0 =	simm.s32 @p0 $0x1  }
0x13: {  	[smem:$0x3FAF] =	sst s0;
	s0 =	simm.s32 @!p1 $0x0  }
0x14: {  	s2 =	sld [smem:$0x3F93];
	s0 =	simm.s32 @p1 $0x1  }
0x15: {  	[smem:$0x3FB0] =	sst s0;
	s0 =	simm.s32 @!p2 $0x0  }
0x16: {  	s3 =	sld [smem:$0x3FDB];
	s0 =	simm.s32 @p2 $0x1  }
0x17: {  	s4 =	simm.s32 $0x1BF5;
	[smem:$0x3FB2] =	sst s0  }
0x18: {  	s0 =	sld [smem:$0x3F95];
	_ =	swait.ge [sflag:s4], $0x0  }
0x19: {  	s7 =	sld [smem:$0x3F96]  }
0x1a: {  	s8 =	sadd.s32 $0xFFFFE003, lr  }
0x1b: {  	s9 =	sadd.s32 $0xFFFFFEF7, lr;
	s5 =	simm.s32 $0xFFFFFFFF;
	p2 =	slt.u32 s8, $0xFFFFF086  }
0x1c: {  	p1 =	slt.u32 s9, $0xF7A;
	s5 =	simm.s32 @!p2 $0x0  }
0x1d: {  	s5 =	simm.s32 @p1 $0x1;
	p0 =	seq.s32 s7, s2  }
0x1e: {  	s7 =	smul.u32 @!p0 $0xF7A, s2;
	p2 =	seq.s32 @!p0 s5, $0x0  }
0x1f: {  	s9 =	smul.u32 $0xF7A, s1;
	s8 =	simm.s32 @!p0 $0x1BF5;
	p2 =	por !p2, p0  }
0x20: {  	[sflag:s8] =	ssyncset.s32 @!p0 $0xFFFFF086;
	s6 =	sadd.s32 @!p0 s3, s7;
	s7 =	simm.s32 @!p0 $0x108  }
0x21: {  	s3 =	sadd.s32 s3, s9;
	s6 =	sadd.s32 @!p0 $0x88, s6;
	s7 =	simm.s32 @p2 $0x1082  }
0x22: {  	[simem:s7], [sflag:s8] =	dma.local @!p0 [hbm:s6], $0xF7A  }
0x23: {  	s9 =	sor.u32 $0xD0000000, s2;
	s6 =	simm.s32 $0x108;
	_ =	swait.ge @!p0 [sflag:s8], $0x0  }
0x24: {  	s3 =	sadd.s32 $0x88, s3;
	s6 =	simm.s32 @!p1 $0x1082;
	[sflag:s4] =	ssyncset.s32 $0xFFFFF086  }
0x25: {  	[simem:s6], [sflag:s4] =	dma.local [hbm:s3], $0xF7A  }
0x26: {  	[smem:$0x3F96] =	sst s1;
	(tag) =	ssettag s2;
	_ =	strace s9  }
0x27: {  	s1 =	sld [smem:$0x3FA6]  }
0x28: {  	s2 =	sld [smem:$0x3FA7]  }
0x29: {  	s4 =	sld [smem:$0x3FA9]  }
0x2a: {  	p0 =	seq.s32 s5, $0x0;
	s5 =	sld [smem:$0x3FAA]  }
0x2b: {  	s6 =	sld [smem:$0x3FAB]  }
0x2c: {  	s7 =	sld [smem:$0x3FAC]  }
0x2d: {  	s3 =	simm.s32 $0x108;
	s8 =	sld [smem:$0x3FAD]  }
0x2e: {  	s3 =	simm.s32 @!p0 $0x1082;
	s9 =	sld [smem:$0x3FAE]  }
0x2f: {  	lr =	sadd.s32 s0, s3;
	s0 =	sld [smem:$0x3FA5]  }
0x30: {  	s3 =	sld [smem:$0x3FA8]  }
0x31: {  	[smem:$0x3FB1] =	sst s10  }
0x32: {  	s10 =	sld [smem:$0x3FAF];
	_ =	sdelay $0x3  }
0x33: {  	p0 =	seq.s32 s10, $0x1;
	s10 =	sld [smem:$0x3FB1];
	_ =	sdelay $0x3  }
0x34: {  	[smem:$0x3FB1] =	sst s10  }
0x35: {  	s10 =	sld [smem:$0x3FB0];
	_ =	sdelay $0x3  }
0x36: {  	p1 =	seq.s32 s10, $0x1;
	s10 =	sld [smem:$0x3FB1];
	_ =	sdelay $0x3  }
0x37: {  	[smem:$0x3FB1] =	sst s10  }
0x38: {  	s10 =	sld [smem:$0x3FB2]  }
0x39: {  	_ = 	snop;
	(pc) =	sbr.ind lr, $3  }
0x3a: {  	_ = 	snop  }
0x3b: {  	_ = 	snop  }
0x3c: {  	p2 =	seq.s32 s10, $0x1;
	s10 =	sld [smem:$0x3FB1]  }
0x3d: {  	_ =	shalt  }
0x3e: {  	_ =	shalt  }
0x3f: {  	_ =	shalt  }
0x40: {  	_ =	shalt  }
0x41: {  	_ =	shalt  }
0x42: {  	_ =	shalt  }
0x43: {  	_ =	shalt  }
0x44: {  	_ =	shalt  }
0x45: {  	_ =	shalt  }
0x46: {  	_ =	shalt  }
0x47: {  	_ =	shalt  }
0x48: {  	_ =	shalt  }
0x49: {  	_ =	shalt  }
0x4a: {  	_ =	shalt  }
0x4b: {  	_ =	shalt  }
0x4c: {  	_ =	shalt  }
0x4d: {  	_ =	shalt  }
0x4e: {  	_ =	shalt  }
0x4f: {  	_ =	shalt  }
0x50: {  	_ =	shalt  }
0x51: {  	_ =	shalt  }
0x52: {  	_ =	shalt  }
0x53: {  	_ =	shalt  }
0x54: {  	_ =	shalt  }
0x55: {  	_ =	shalt  }
0x56: {  	_ =	shalt  }
0x57: {  	_ =	shalt  }
0x58: {  	_ =	shalt  }
0x59: {  	_ =	shalt  }
0x5a: {  	_ =	shalt  }
0x5b: {  	_ =	shalt  }
0x5c: {  	_ =	shalt  }
0x5d: {  	_ =	shalt  }
0x5e: {  	_ =	shalt  }
0x5f: {  	_ =	shalt  }
0x60: {  	_ =	shalt  }
0x61: {  	_ =	shalt  }
0x62: {  	_ =	shalt  }
0x63: {  	_ =	shalt  }
0x64: {  	_ =	shalt  }
0x65: {  	_ =	shalt  }
0x66: {  	_ =	shalt  }
0x67: {  	_ =	shalt  }
0x68: {  	_ =	shalt  }
0x69: {  	_ =	shalt  }
0x6a: {  	_ =	shalt  }
0x6b: {  	_ =	shalt  }
0x6c: {  	_ =	shalt  }
0x6d: {  	_ =	shalt  }
0x6e: {  	_ =	shalt  }
0x6f: {  	_ =	shalt  }
0x70: {  	_ =	shalt  }
0x71: {  	_ =	shalt  }
0x72: {  	_ =	shalt  }
0x73: {  	_ =	shalt  }
0x74: {  	_ =	shalt  }
0x75: {  	_ =	shalt  }
0x76: {  	_ =	shalt  }
0x77: {  	_ =	shalt  }
0x78: {  	_ =	shalt  }
0x79: {  	_ =	shalt  }
0x7a: {  	_ =	shalt  }
0x7b: {  	_ =	shalt  }
0x7c: {  	_ =	shalt  }
0x7d: {  	_ =	shalt  }
0x7e: {  	_ =	shalt  }
0x7f: {  	_ =	shalt  }
0x80: {  	_ =	shalt  }
0x81: {  	_ =	shalt  }
0x82: {  	_ =	shalt  }
0x83: {  	_ =	shalt  }
0x84: {  	_ =	shalt  }
0x85: {  	_ =	shalt  }
0x86: {  	_ =	shalt  }
0x87: {  	_ =	shalt  }
.Lfunc_end0:
.L_simem_size_0:
called_computation_lowered:
.L_overlay_start_0:
0x88: {  	s2 =	sld [smem:$0x3FD9]  }
0x89: {  	s3 =	sld [smem:$0x3FFE];
	_ =	sdelay $0x1  }
0x8a: {  	s1 =	srdreg.scid  }
0x8b: {  	s0 =	sand.u32 $0x1, s1  }
0x8c: {  	s16 =	sshll.u32 s0, $0xA;
	s2 =	sadd.s32 s3, s2  }
0x8d: {  	s2 =	sadd.s32 s2, s16  }
0x8e: {  	[smem:$0x3FBD] =	sst s2  }
0x8f: {  	_ = 	snop  }
0x90: {  	(tm) =	ssettm $0x1  }
0x91: {  	s17 =	sld [smem:$0x3FFB];
	_ =	sdelay $0x3  }
0x92: {  	_ =	strace s17  }
0x93: {  	s2 =	sld [smem:$0x3FFC];
	_ =	sdelay $0x3  }
0x94: {  	_ =	strace s2  }
0x95: {  	s2 =	sld [smem:$0x3FFD];
	_ =	sdelay $0x3  }
0x96: {  	_ =	strace s2  }
0x97: {  	_ =	strace $0x8FFFFFFF  }
0x98: {  	s18 =	sld [smem:$0x3FDB];
	_ =	sdelay $0x1  }
0x99: {  	s19 =	simm.s32 $_scs_section_size  }
0x9a: {  	s4 =	simm.s32 $_size__tile_overlayer_lowered;
	s5 =	simm.s32 $_tile_overlayer_lowered  }
0x9b: {  	s22 =	simm.s32 $0x1BFF;
	s21 =	sshll.u32 s5, $0x1;
	s2 =	sadd.s32 s19, s18  }
0x9c: {  	s6 =	simm.s32 $0x0;
	s20 =	sshll.u32 s4, $0x1;
	s4 =	sadd.s32 s21, s2  }
0x9d: {  	[timem:s6], [sflag:s22] =	dma.local [hbm:s4], s20  }
0x9e: {  	_ =	swait.ge [sflag:s22], s20  }
0x9f: {  	s3 =	ssub.s32 $0x0, s20;
	[sflag:s22] =	ssyncset.done $0x0  }
0xa0: {  	[sflag:s22] =	ssyncadd.s32 s3;
	_ =	sdelay $0x1  }
0xa1: {  	s23 =	simm.s32 $0x1B8B  }
0xa2: {  	_ =	swait.ge [sflag:s23], $0x1  }
0xa3: {  	[sflag:s23] =	ssyncset.done $0x0  }
0xa4: {  	s25 =	simm.s32 $0x1B8E;
	s24 =	sld [smem:$0x3FFE];
	[sflag:s23] =	ssyncadd.s32 $0xFFFFFFFF  }
0xa5: {  	s26 =	simm.s32 $execute0_lowered;
	[smem:$0x3FD2] =	sst s25  }
0xa6: {  	s4 =	sshll.u32 s26, $0x1;
	_ =	strace $0x80000046;
	[dreg:$0x1] =	wrdreg $0xFFFFFFFF  }
0xa7: {  	s28 =	simm.s32 $_size_execute0_lowered;
	s2 =	sadd.s32 s2, s4;
	[dreg:$0x0] =	wrdreg $0x0  }
0xa8: {  	s4 =	sshll.u32 s28, $0x1;
	[dreg:$0x2] =	wrdreg s2  }
0xa9: {  	[dreg:$0x3] =	wrdreg s4  }
0xaa: {  	[dreg:$0x4] =	wrdreg $0xC0  }
0xab: {  	_ =	task [dreg:s6], $0x5FFFF  }
0xac: {  	[dreg:$0x1] =	wrdreg $0xFFFFFFFF  }
0xad: {  	[dreg:$0x0] =	wrdreg $0x60  }
0xae: {  	[dreg:$0x2] =	wrdreg s24  }
0xaf: {  	[dreg:$0x3] =	wrdreg $0x9  }
0xb0: {  	_ =	task.clear_ibuf [dreg:s6], $0x4FFFF;
	_ =	strace $0x90000046  }
0xb1: {  	s29 =	simm.s32 $0x9;
	_ =	strace $0x80000048  }
0xb2: {  	_ =	swait.ge [sflag:s29], $0x1  }
0xb3: {  	[sflag:s29] =	ssyncadd.s32 $0xFFFFFFFF  }
0xb4: {  	_ =	strace $0x90000048  }
0xb5: {  	_ =	sfence  }
0xb6: {  	s30 =	sld [smem:$0x0];
	_ =	sdelay $0x2  }
0xb7: {  	s31 =	sshll.u32 s1, $0xD;
	s1 =	sshrl.u32 s1, $0x2  }
0xb8: {  	s3 =	sand.u32 $0x4000, s31;
	s1 =	sadd.s32 s1, s30  }
0xb9: {  	s0 =	sor.u32 s3, s0;
	s1 =	sshll.u32 s1, $0x11  }
0xba: {  	s0 =	sor.u32 s1, s0  }
0xbb: {  	s0 =	sadd.s32 $0x8F2B, s0  }
0xbc: {  	[sflag:s0] =	ssyncadd.remote.s32 $0x1  }
0xbd: {  	_ =	sfence.sel $0xFFFF  }
0xbe: {  	[dreg:$0x0] =	wrdreg $0xFFFFFFFF;
	(pc) =	sbr.abs _section_cstart, $3  }
0xbf: {  	[dreg:$0x1] =	wrdreg $0xFFFFFFFF  }
0xc0: {  	_ =	task.clear_ibuf [dreg:s6], $0x2FFFF;
	_ =	strace $0x9FFFFFFF  }
0xc1: {  	(tm) =	ssettm $0x7FFFFFFF  }
tec
execute0_lowered:
.L_overlay_start_1:
0x0: {  	(tag) =	ssettag $0x1  }
0x1: {  	s1 =	srdreg.scid  }
0x2: {  	s0 =	rddreg [dreg:$0x0];
	s3 =	stileid.u32;
	s1 =	sand.u32 $0x1, s1  }
0x3: {  	s2 =	simm.s32 $0x0;
	s3 =	sshll.u32 s3, $0xA;
	s4 =	sshll.u32 s1, $0x9  }
0x4: {  	s12 =	simm.s32 $0x12800;
	s28 =	simm.s32 $0x14800;
	s7 =	sor.u32 s4, s3  }
0x5: {  	s13 =	simm.s32 $0x16800;
	s29 =	simm.s32 $0x18800;
	s3 =	sshrl.u32 s7, $0x3  }
0x6: {  	s14 =	simm.s32 $0x19800;
	s30 =	simm.s32 $0x2;
	s8 =	sadd.s32 s3, s0  }
0x7: {  	s15 =	simm.s32 $0x1A800;
	[smem:$0x7FF] =	sst s2;
	s9 =	sadd.s32 $0x189000, s8  }
0x8: {  	_ =	strace $0x80000047;
	s17 =	sadd.s32 $0x189800, s8;
	[dreg:$0x2] =	wrdreg s9  }
0x9: {  	s5 =	sadd.s32 $0x42400, s0;
	s18 =	sadd.s32 $0x18A000, s8;
	[dreg:$0x3] =	wrdreg s17  }
0xa: {  	s6 =	sadd.s32 $0x82400, s0;
	s19 =	sadd.s32 $0x18A800, s8;
	[dreg:$0x4] =	wrdreg s18  }
0xb: {  	s16 =	ssub.s32 $0x2, s1;
	s20 =	sadd.s32 $0x18B000, s8;
	[dreg:$0x5] =	wrdreg s19  }
0xc: {  	s4 =	sadd.s32 $0x2400, s0;
	s21 =	sadd.s32 $0x18B800, s8;
	[dreg:$0x6] =	wrdreg s20  }
0xd: {  	s1 =	sshrl.u32 s16, $0x1;
	s22 =	sadd.s32 $0x18C800, s8;
	[dreg:$0x7] =	wrdreg s21  }
0xe: {  	s3 =	sadd.s32 $0x18F000, s0;
	s23 =	sadd.s32 $0x18C000, s8;
	[dreg:$0x8] =	wrdreg s22  }
0xf: {  	s0 =	ssub.s32 s16, s1;
	s24 =	sadd.s32 $0x18D000, s8;
	[dreg:$0x9] =	wrdreg s23  }
0x10: {  	s1 =	simm.s32 $0x1;
	s25 =	sadd.s32 $0x18D800, s8;
	[dreg:$0xa] =	wrdreg s24  }
.Ltmp0:
0x11: {  	s26 =	sadd.s32 $0x18E000, s8;
	[dreg:$0xb] =	wrdreg s25;
	(pc) =	sbr.rel .LBB2_1-.Ltmp0, $4  }
0x12: {  	s31 =	sadd.s32 $0x18E800, s8;
	s0 =	smax.u32 s0, $0x1;
	[dreg:$0xc] =	wrdreg s26  }
0x13: {  	s8 =	simm.s32 $0x17800;
	[dreg:$0xd] =	wrdreg s31;
	s19 =	sshll.u32 s7, $0x4  }
0x14: {  	[dreg:$0xe] =	wrdreg s0;
	s7 =	simm.s32 $0x20;
	s21 =	simm.s32 $0x15800  }
0x15: {  	s26 =	simm.s32 $0x10800;
	s17 =	simm.s32 $0x6;
	s9 =	simm.s32 $0x0  }
.LBB2_8:
0x16: {  	s0 =	simm.s32 $0x3  }
0x17: {  	_ =	swait.ge [sflag:s0], $0x1000  }
0x18: {  	[sflag:s0] =	ssyncset.done $0x0  }
0x19: {  	s24 =	simm.s32 $0x5;
	[sflag:s0] =	ssyncadd.s32 $0xFFFFF000  }
0x1a: {  	_ =	swait.ge [sflag:s24], $0x1000  }
0x1b: {  	[sflag:s24] =	ssyncset.done $0x0  }
0x1c: {  	[sflag:s24] =	ssyncadd.s32 $0xFFFFF000  }
0x1d: {  	_ =	swait.ge [sflag:s24], $0x1000  }
0x1e: {  	[sflag:s24] =	ssyncset.done $0x0  }
0x1f: {  	s25 =	simm.s32 $0x4;
	[sflag:s24] =	ssyncadd.s32 $0xFFFFF000  }
0x20: {  	_ =	swait.ge [sflag:s25], $0x1000  }
0x21: {  	[sflag:s25] =	ssyncset.done $0x0  }
0x22: {  	[sflag:s25] =	ssyncadd.s32 $0xFFFFF000  }
0x23: {  	_ =	swait.ge [sflag:s17], $0x1000  }
0x24: {  	[sflag:s17] =	ssyncset.done $0x0  }
0x25: {  	[sflag:s17] =	ssyncadd.s32 $0xFFFFF000  }
0x26: {  	_ =	swait.ge [sflag:s17], $0x1000  }
0x27: {  	s9 =	rddreg [dreg:$0xf]  }
0x28: {  	s31 =	rddreg [dreg:$0xe];
	s9 =	sadd.s32 $0x1, s9  }
0x29: {  	p0 =	sne.s32 s9, s31  }
.Ltmp1:
0x2a: {  	_ = 	snop;
	(pc) =	sbr.rel @!p0 .LBB2_9-.Ltmp1, $3  }
0x2b: {  	_ =	sdelay $0x1  }
0x2c: {  	[sflag:s17] =	ssyncset.done $0x0  }
0x2d: {  	[sflag:s17] =	ssyncadd.s32 $0xFFFFF000  }
.LBB2_1:
0x2e: {  	[dreg:$0xf] =	wrdreg s9  }
0x2f: {  	s0 =	rddreg [dreg:$0x2]  }
0x30: {  	[tilespmem:s2], [sflag:$0x1] =	stream.linear.gather [hbm4b:s0+s2], $0x200, $0x38;
	[tilespmem:$0x1B800] =	vst v63  }
0x31: {  	s25 =	rddreg [dreg:$0x3];
	s16 =	simm.s32 $0x200  }
0x32: {  	[tilespmem:s16], [sflag:$0x1] =	stream.linear.gather [hbm4b:s25+s2], $0x200, $0x38;
	[tilespmem:$0x1B800] =	vst v63  }
0x33: {  	s31 =	rddreg [dreg:$0x4];
	s18 =	simm.s32 $0x400  }
0x34: {  	[tilespmem:s18], [sflag:$0x1] =	stream.linear.gather [hbm4b:s31+s2], $0x200, $0x38;
	[tilespmem:$0x1B800] =	vst v63  }
0x35: {  	s9 =	rddreg [dreg:$0x5];
	s20 =	simm.s32 $0x600  }
0x36: {  	[tilespmem:s20], [sflag:$0x1] =	stream.linear.gather [hbm4b:s9+s2], $0x200, $0x38;
	[tilespmem:$0x1B800] =	vst v63  }
0x37: {  	s10 =	rddreg [dreg:$0x6];
	s22 =	simm.s32 $0x800  }
0x38: {  	[tilespmem:s22], [sflag:$0x1] =	stream.linear.gather [hbm4b:s10+s2], $0x200, $0x38;
	[tilespmem:$0x1B800] =	vst v63  }
0x39: {  	s11 =	rddreg [dreg:$0x7];
	s31 =	simm.s32 $0xA00  }
0x3a: {  	[tilespmem:s31], [sflag:$0x1] =	stream.linear.gather [hbm4b:s11+s2], $0x200, $0x38;
	[tilespmem:$0x1B800] =	vst v63  }
0x3b: {  	s23 =	rddreg [dreg:$0x9];
	s9 =	simm.s32 $0xC00  }
0x3c: {  	[tilespmem:s9], [sflag:$0x1] =	stream.linear.gather [hbm4b:s23+s2], $0x200, $0x38;
	[tilespmem:$0x1B800] =	vst v63  }
0x3d: {  	s24 =	rddreg [dreg:$0x8];
	s23 =	simm.s32 $0xE00  }
0x3e: {  	[tilespmem:s23], [sflag:$0x1] =	stream.linear.gather [hbm4b:s24+s2], $0x200, $0x38;
	[tilespmem:$0x1B800] =	vst v63  }
0x3f: {  	s25 =	rddreg [dreg:$0xa];
	s10 =	simm.s32 $0x1000  }
0x40: {  	[tilespmem:s10], [sflag:$0x1] =	stream.linear.gather [hbm4b:s25+s2], $0x200, $0x38;
	[tilespmem:$0x1B800] =	vst v63  }
0x41: {  	s11 =	rddreg [dreg:$0xb];
	s24 =	simm.s32 $0x1200  }
0x42: {  	[tilespmem:s24], [sflag:$0x1] =	stream.linear.gather [hbm4b:s11+s2], $0x200, $0x38;
	[tilespmem:$0x1B800] =	vst v63  }
0x43: {  	s25 =	rddreg [dreg:$0xc];
	s11 =	simm.s32 $0x1400  }
0x44: {  	[tilespmem:s11], [sflag:$0x1] =	stream.linear.gather [hbm4b:s25+s2], $0x200, $0x38;
	[tilespmem:$0x1B800] =	vst v63  }
0x45: {  	s0 =	rddreg [dreg:$0xd];
	s25 =	simm.s32 $0x1600  }
0x46: {  	[tilespmem:s25], [sflag:$0x1] =	stream.linear.gather [hbm4b:s0+s2], $0x200, $0x38;
	[tilespmem:$0x1B800] =	vst v63  }
0x47: {  	_ =	swait.ge [sflag:s1], $0x200  }
0x48: {  	[sflag:s1] =	ssyncset.done $0x0  }
0x49: {  	[sflag:s1] =	ssyncadd.s32 $0xFFFFFE00  }
0x4a: {  	_ =	swait.ge [sflag:s1], $0x200  }
0x4b: {  	[sflag:s1] =	ssyncset.done $0x0  }
0x4c: {  	[sflag:s1] =	ssyncadd.s32 $0xFFFFFE00  }
0x4d: {  	_ =	swait.ge [sflag:s1], $0x200  }
0x4e: {  	[sflag:s1] =	ssyncset.done $0x0  }
0x4f: {  	[sflag:s1] =	ssyncadd.s32 $0xFFFFFE00  }
0x50: {  	_ =	swait.ge [sflag:s1], $0x200  }
0x51: {  	[sflag:s1] =	ssyncset.done $0x0  }
0x52: {  	[sflag:s1] =	ssyncadd.s32 $0xFFFFFE00  }
0x53: {  	_ =	swait.ge [sflag:s1], $0x200  }
0x54: {  	[sflag:s1] =	ssyncset.done $0x0  }
0x55: {  	[sflag:s1] =	ssyncadd.s32 $0xFFFFFE00  }
0x56: {  	_ =	swait.ge [sflag:s1], $0x200  }
0x57: {  	[sflag:s1] =	ssyncset.done $0x0  }
0x58: {  	[sflag:s1] =	ssyncadd.s32 $0xFFFFFE00  }
0x59: {  	_ =	swait.ge [sflag:s1], $0x200  }
0x5a: {  	[sflag:s1] =	ssyncset.done $0x0  }
0x5b: {  	[sflag:s1] =	ssyncadd.s32 $0xFFFFFE00  }
0x5c: {  	_ =	swait.ge [sflag:s1], $0x200  }
0x5d: {  	[sflag:s1] =	ssyncset.done $0x0  }
0x5e: {  	[sflag:s1] =	ssyncadd.s32 $0xFFFFFE00  }
0x5f: {  	_ =	swait.ge [sflag:s1], $0x200  }
0x60: {  	[sflag:s1] =	ssyncset.done $0x0  }
0x61: {  	[sflag:s1] =	ssyncadd.s32 $0xFFFFFE00  }
0x62: {  	_ =	swait.ge [sflag:s1], $0x200  }
0x63: {  	[sflag:s1] =	ssyncset.done $0x0  }
0x64: {  	[sflag:s1] =	ssyncadd.s32 $0xFFFFFE00  }
0x65: {  	_ =	swait.ge [sflag:s1], $0x200  }
0x66: {  	[sflag:s1] =	ssyncset.done $0x0  }
0x67: {  	[sflag:s1] =	ssyncadd.s32 $0xFFFFFE00  }
0x68: {  	_ =	swait.ge [sflag:s1], $0x200  }
0x69: {  	[sflag:s1] =	ssyncset.done $0x0  }
0x6a: {  	s0 =	simm.s32 $0x1800;
	[sflag:s1] =	ssyncadd.s32 $0xFFFFFE00  }
0x6b: {  	[tilespmem:s0], [sflag:$0x1] =	stream.indirect.gather [hbm4b:s3+s7], $0x80, s2, s7, $0xb8;
	[tilespmem:$0x1B800] =	vst v63  }
0x6c: {  	s0 =	simm.s32 $0x3800  }
0x6d: {  	[tilespmem:s0], [sflag:$0x1] =	stream.indirect.gather [hbm4b:s3+s7], $0x80, s16, s7, $0xb8;
	[tilespmem:$0x1B800] =	vst v63  }
0x6e: {  	s16 =	simm.s32 $0x5800  }
0x6f: {  	[tilespmem:s16], [sflag:$0x1] =	stream.indirect.gather [hbm4b:s3+s7], $0x80, s18, s7, $0xb8;
	[tilespmem:$0x1B800] =	vst v63  }
0x70: {  	s18 =	simm.s32 $0x7800  }
0x71: {  	[tilespmem:s18], [sflag:$0x1] =	stream.indirect.gather [hbm4b:s3+s7], $0x80, s20, s7, $0xb8;
	[tilespmem:$0x1B800] =	vst v63  }
0x72: {  	s20 =	simm.s32 $0x9800  }
0x73: {  	[tilespmem:s20], [sflag:$0x1] =	stream.indirect.gather [hbm4b:s3+s7], $0x80, s22, s7, $0xb8;
	[tilespmem:$0x1B800] =	vst v63  }
0x74: {  	s22 =	simm.s32 $0xB800  }
0x75: {  	[tilespmem:s22], [sflag:$0x1] =	stream.indirect.gather [hbm4b:s3+s7], $0x80, s31, s7, $0xb8;
	[tilespmem:$0x1B800] =	vst v63  }
0x76: {  	s31 =	simm.s32 $0xD800  }
0x77: {  	[tilespmem:s31], [sflag:$0x1] =	stream.indirect.gather [hbm4b:s3+s7], $0x80, s9, s7, $0xb8;
	[tilespmem:$0x1B800] =	vst v63  }
0x78: {  	s16 =	simm.s32 $0xF800  }
0x79: {  	[tilespmem:s16], [sflag:$0x1] =	stream.indirect.gather [hbm4b:s3+s7], $0x80, s23, s7, $0xb8;
	[tilespmem:$0x1B800] =	vst v63  }
0x7a: {  	s18 =	simm.s32 $0x11800  }
0x7b: {  	[tilespmem:s18], [sflag:$0x1] =	stream.indirect.gather [hbm4b:s3+s7], $0x80, s10, s7, $0xb8;
	[tilespmem:$0x1B800] =	vst v63  }
0x7c: {  	s20 =	simm.s32 $0x13800  }
0x7d: {  	[tilespmem:s20], [sflag:$0x1] =	stream.indirect.gather [hbm4b:s3+s7], $0x80, s24, s7, $0xb8;
	[tilespmem:$0x1B800] =	vst v63  }
0x7e: {  	_ = 	snop  }
0x7f: {  	[tilespmem:s21], [sflag:$0x1] =	stream.indirect.gather [hbm4b:s3+s7], $0x80, s11, s7, $0xb8;
	[tilespmem:$0x1B800] =	vst v63  }
0x80: {  	_ = 	snop  }
0x81: {  	[tilespmem:s8], [sflag:$0x1] =	stream.indirect.gather [hbm4b:s3+s7], $0x80, s25, s7, $0xb8;
	[tilespmem:$0x1B800] =	vst v63  }
0x82: {  	s9 =	simm.s32 $0x2800  }
0x83: {  	[tilespmem:s9], [sflag:$0x2] =	stream.indirect.gather [hbm4b:s3+s7], $0x80, s7, s7, $0xb8;
	[tilespmem:$0x1B800] =	vst v63  }
0x84: {  	s22 =	simm.s32 $0x220;
	s10 =	simm.s32 $0x4800  }
0x85: {  	[tilespmem:s10], [sflag:$0x2] =	stream.indirect.gather [hbm4b:s3+s7], $0x80, s22, s7, $0xb8;
	[tilespmem:$0x1B800] =	vst v63  }
0x86: {  	s31 =	simm.s32 $0x420;
	s11 =	simm.s32 $0x6800  }
0x87: {  	[tilespmem:s11], [sflag:$0x2] =	stream.indirect.gather [hbm4b:s3+s7], $0x80, s31, s7, $0xb8;
	[tilespmem:$0x1B800] =	vst v63  }
0x88: {  	s23 =	simm.s32 $0x8800;
	s16 =	simm.s32 $0x620  }
0x89: {  	[tilespmem:s23], [sflag:$0x2] =	stream.indirect.gather [hbm4b:s3+s7], $0x80, s16, s7, $0xb8;
	[tilespmem:$0x1B800] =	vst v63  }
0x8a: {  	s18 =	simm.s32 $0x820;
	s24 =	simm.s32 $0xA800  }
0x8b: {  	[tilespmem:s24], [sflag:$0x2] =	stream.indirect.gather [hbm4b:s3+s7], $0x80, s18, s7, $0xb8;
	[tilespmem:$0x1B800] =	vst v63  }
0x8c: {  	s20 =	simm.s32 $0xA20;
	s25 =	simm.s32 $0xC800  }
0x8d: {  	[tilespmem:s25], [sflag:$0x2] =	stream.indirect.gather [hbm4b:s3+s7], $0x80, s20, s7, $0xb8;
	[tilespmem:$0x1B800] =	vst v63  }
0x8e: {  	s22 =	simm.s32 $0xC20;
	s31 =	simm.s32 $0xE800  }
0x8f: {  	[tilespmem:s31], [sflag:$0x2] =	stream.indirect.gather [hbm4b:s3+s7], $0x80, s22, s7, $0xb8;
	[tilespmem:$0x1B800] =	vst v63  }
0x90: {  	s16 =	simm.s32 $0xE20  }
0x91: {  	[tilespmem:s26], [sflag:$0x2] =	stream.indirect.gather [hbm4b:s3+s7], $0x80, s16, s7, $0xb8;
	[tilespmem:$0x1B800] =	vst v63  }
0x92: {  	s18 =	simm.s32 $0x1020  }
0x93: {  	[tilespmem:s12], [sflag:$0x2] =	stream.indirect.gather [hbm4b:s3+s7], $0x80, s18, s7, $0xb8;
	[tilespmem:$0x1B800] =	vst v63  }
0x94: {  	s20 =	simm.s32 $0x1220  }
0x95: {  	[tilespmem:s28], [sflag:$0x2] =	stream.indirect.gather [hbm4b:s3+s7], $0x80, s20, s7, $0xb8;
	[tilespmem:$0x1B800] =	vst v63  }
0x96: {  	s22 =	simm.s32 $0x1420  }
0x97: {  	[tilespmem:s13], [sflag:$0x2] =	stream.indirect.gather [hbm4b:s3+s7], $0x80, s22, s7, $0xb8;
	[tilespmem:$0x1B800] =	vst v63  }
0x98: {  	s31 =	simm.s32 $0x1620;
	s20 =	simm.s32 $0x0  }
0x99: {  	[tilespmem:s29], [sflag:$0x2] =	stream.indirect.gather [hbm4b:s3+s7], $0x80, s31, s7, $0xb8;
	[tilespmem:$0x1B800] =	vst v63  }
.LBB2_2:
0x9a: {  	_ =	swait.ge [sflag:s1], $0x1000  }
0x9b: {  	[sflag:s1] =	ssyncset.done $0x0  }
0x9c: {  	[sflag:s1] =	ssyncadd.s32 $0xFFFFF000  }
0x9d: {  	_ =	swait.ge [sflag:s1], $0x1000  }
0x9e: {  	[sflag:s1] =	ssyncset.done $0x0  }
0x9f: {  	[sflag:s1] =	ssyncadd.s32 $0xFFFFF000  }
0xa0: {  	_ =	swait.ge [sflag:s1], $0x1000  }
0xa1: {  	[sflag:s1] =	ssyncset.done $0x0  }
0xa2: {  	[sflag:s1] =	ssyncadd.s32 $0xFFFFF000  }
0xa3: {  	_ =	swait.ge [sflag:s1], $0x1000  }
0xa4: {  	[sflag:s1] =	ssyncset.done $0x0  }
0xa5: {  	[sflag:s1] =	ssyncadd.s32 $0xFFFFF000  }
0xa6: {  	_ =	swait.ge [sflag:s1], $0x1000  }
0xa7: {  	[sflag:s1] =	ssyncset.done $0x0  }
0xa8: {  	[sflag:s1] =	ssyncadd.s32 $0xFFFFF000  }
0xa9: {  	_ =	swait.ge [sflag:s1], $0x1000  }
0xaa: {  	[sflag:s1] =	ssyncset.done $0x0  }
0xab: {  	[sflag:s1] =	ssyncadd.s32 $0xFFFFF000  }
0xac: {  	_ =	swait.ge [sflag:s1], $0x1000  }
0xad: {  	[sflag:s1] =	ssyncset.done $0x0  }
0xae: {  	[sflag:s1] =	ssyncadd.s32 $0xFFFFF000  }
0xaf: {  	_ =	swait.ge [sflag:s1], $0x1000  }
0xb0: {  	[sflag:s1] =	ssyncset.done $0x0  }
0xb1: {  	[sflag:s1] =	ssyncadd.s32 $0xFFFFF000  }
0xb2: {  	_ =	swait.ge [sflag:s1], $0x1000  }
0xb3: {  	[sflag:s1] =	ssyncset.done $0x0  }
0xb4: {  	[sflag:s1] =	ssyncadd.s32 $0xFFFFF000  }
0xb5: {  	_ =	swait.ge [sflag:s1], $0x1000  }
0xb6: {  	[sflag:s1] =	ssyncset.done $0x0  }
0xb7: {  	[sflag:s1] =	ssyncadd.s32 $0xFFFFF000  }
0xb8: {  	_ =	swait.ge [sflag:s1], $0x1000  }
0xb9: {  	[sflag:s1] =	ssyncset.done $0x0  }
0xba: {  	[sflag:s1] =	ssyncadd.s32 $0xFFFFF000  }
0xbb: {  	s0 =	sshll.u32 s20, $0xA;
	_ =	swait.ge [sflag:s1], $0x1000  }
0xbc: {  	s0 =	sadd.s32 s19, s0;
	[sflag:s1] =	ssyncset.done $0x0  }
0xbd: {  	p0 =	seq.s32 s20, $0x0;
	s16 =	sadd.s32 s5, s0;
	[sflag:s1] =	ssyncadd.s32 $0xFFFFF000  }
0xbe: {  	[hbm4b:s16+s2] =	stream.linear.scatter [tilespmem:s21], [sflag:$0x5], $0x1000, $0x38;
	[tilespmem:$0x1B800] =	vst v63  }
0xbf: {  	s22 =	sadd.s32 s6, s0;
	s16 =	simm.s32 @!p0 $0x3  }
0xc0: {  	[hbm4b:s22+s2] =	stream.linear.scatter [tilespmem:s8], [sflag:$0x5], $0x1000, $0x38;
	[tilespmem:$0x1B800] =	vst v63  }
0xc1: {  	_ =	swait.ge @!p0 [sflag:s16], $0x1000  }
0xc2: {  	[sflag:s16] =	ssyncset.done @!p0 $0x0  }
0xc3: {  	[sflag:s16] =	ssyncadd.s32 @!p0 $0xFFFFF000;
	s16 =	simm.s32 $0x0  }
0xc4: {  	v0 =	vld [tilespmem:s16+$0xB830]  }
0xc5: {  	v1 =	vld [tilespmem:s16+$0xD830]  }
0xc6: {  	v2 =	vld [tilespmem:s16+$0x1800]  }
0xc7: {  	v3 =	vld [tilespmem:s16+$0xF830]  }
0xc8: {  	v4 =	vld [tilespmem:s16+$0x3800]  }
0xc9: {  	v5 =	vld [tilespmem:s16+$0x11830]  }
0xca: {  	v6 =	vld [tilespmem:s16+$0x1810]  }
0xcb: {  	v7 =	vld [tilespmem:s16+$0x3810]  }
0xcc: {  	v8 =	vld [tilespmem:s16+$0x3820]  }
0xcd: {  	v9 =	vld [tilespmem:s16+$0x3830]  }
0xce: {  	v10 =	vld [tilespmem:s16+$0xD800]  }
0xcf: {  	v11 =	vld [tilespmem:s16+$0xD810]  }
0xd0: {  	v12 =	vld [tilespmem:s16+$0xB820]  }
0xd1: {  	v13 =	vld [tilespmem:s16+$0xD820]  }
0xd2: {  	v14 =	vld [tilespmem:s16+$0x5800]  }
0xd3: {  	v15 =	vld [tilespmem:s16+$0x5810]  }
0xd4: {  	v16 =	vld [tilespmem:s16+$0x5820]  }
0xd5: {  	v17 =	vld [tilespmem:s16+$0x5830]  }
0xd6: {  	v18 =	vld [tilespmem:s16+$0xF800]  }
0xd7: {  	v19 =	vld [tilespmem:s16+$0xF810]  }
0xd8: {  	v20 =	vld [tilespmem:s16+$0xF820]  }
0xd9: {  	v21 =	vld [tilespmem:s16+$0x7800];
	v0 =	vadd.f32 v1, v0  }
0xda: {  	v1 =	vld [tilespmem:s16+$0x13830]  }
0xdb: {  	v22 =	vld [tilespmem:s16+$0x7810];
	v0 =	vadd.f32 v3, v0  }
0xdc: {  	v23 =	vld [tilespmem:s16+$0x7820]  }
0xdd: {  	v24 =	vld [tilespmem:s16+$0x7830];
	v0 =	vadd.f32 v5, v0  }
0xde: {  	v3 =	vld [tilespmem:s16+$0x1820]  }
0xdf: {  	v5 =	vld [tilespmem:s16+$0x1830];
	v0 =	vadd.f32 v1, v0  }
0xe0: {  	v2 =	vadd.f32 v4, v2;
	v1 =	vld [tilespmem:s16+$0xB800]  }
0xe1: {  	v4 =	vadd.f32 v7, v6;
	[tilespmem:s16+$0x19870] =	vst v0;
	v0 =	vld [tilespmem:s16+$0xB810]  }
0xe2: {  	v25 =	vld [tilespmem:s16+$0x11800];
	v6 =	vadd.f32 v13, v12;
	v2 =	vadd.f32 v14, v2  }
0xe3: {  	v63 =	vld [tilespmem:s16+$0x9820];
	v4 =	vadd.f32 v15, v4;
	v3 =	vadd.f32 v8, v3  }
0xe4: {  	v13 =	vadd.f32 v20, v6;
	v14 =	vadd.f32 v21, v2;
	v8 =	vld [tilespmem:s16+$0x9800]  }
0xe5: {  	v5 =	vadd.f32 v9, v5;
	v9 =	vld [tilespmem:s16+$0x11810];
	v3 =	vadd.f32 v16, v3  }
0xe6: {  	v1 =	vadd.f32 v10, v1;
	v0 =	vadd.f32 v11, v0;
	v11 =	vld [tilespmem:s16+$0x9810]  }
0xe7: {  	v15 =	vadd.f32 v22, v4;
	v10 =	vld [tilespmem:s16+$0x11820];
	v5 =	vadd.f32 v17, v5  }
0xe8: {  	v7 =	vld [tilespmem:s16+$0x9830];
	v16 =	vadd.f32 v23, v3;
	v1 =	vadd.f32 v18, v1  }
0xe9: {  	v4 =	vld [tilespmem:s16+$0x13800];
	v14 =	vadd.f32 v8, v14;
	v0 =	vadd.f32 v19, v0  }
0xea: {  	v6 =	vadd.f32 v24, v5;
	v5 =	vld [tilespmem:s16+$0x13810];
	v2 =	vadd.f32 v25, v1  }
0xeb: {  	s18 =	simm.s32 $0x80;
	v8 =	vld [tilespmem:s16+$0x13820];
	v3 =	vadd.f32 v9, v0;
	v9 =	vadd.f32 v11, v15  }
0xec: {  	s31 =	sshll.u32 s20, $0x6;
	s22 =	simm.s32 $0x400;
	v1 =	vld [tilespmem:s18+$0xB830];
	[tilespmem:s16+$0x19800] =	vst v14;
	v0 =	vadd.f32 v10, v13;
	v10 =	vadd.f32 v63, v16  }
.LBB2_3:
0xed: {  	p1 =	sne.s32 s22, $0x3E00;
	v11 =	vld [tilespmem:s18+$0xD830];
	[tilespmem:s16+$0x19810] =	vst v9;
	v6 =	vadd.f32 v7, v6  }
0xee: {  	v7 =	vld [tilespmem:s18+$0x1800];
	[tilespmem:s16+$0x19820] =	vst v10;
	v2 =	vadd.f32 v4, v2  }
0xef: {  	v4 =	vld [tilespmem:s18+$0xF830];
	[tilespmem:s16+$0x19830] =	vst v6;
	v3 =	vadd.f32 v5, v3  }
0xf0: {  	v5 =	vld [tilespmem:s18+$0x3800];
	[tilespmem:s16+$0x19840] =	vst v2;
	v0 =	vadd.f32 v8, v0  }
0xf1: {  	v2 =	vld [tilespmem:s18+$0x11830];
	[tilespmem:s16+$0x19850] =	vst v3  }
0xf2: {  	v3 =	vld [tilespmem:s18+$0x1810];
	v1 =	vadd.f32 v11, v1;
	[tilespmem:s16+$0x19860] =	vst v0;
	s16 =	smov.u32 s18  }
0xf3: {  	v0 =	vld [tilespmem:s16+$0x13830]  }
0xf4: {  	v6 =	vld [tilespmem:s16+$0x3810];
	v1 =	vadd.f32 v4, v1  }
0xf5: {  	v4 =	vadd.f32 v5, v7;
	v5 =	vld [tilespmem:s16+$0x1820]  }
0xf6: {  	v7 =	vld [tilespmem:s16+$0x3820];
	v1 =	vadd.f32 v2, v1  }
0xf7: {  	v2 =	vld [tilespmem:s16+$0x1830]  }
0xf8: {  	v8 =	vld [tilespmem:s16+$0x3830];
	v0 =	vadd.f32 v0, v1  }
0xf9: {  	v1 =	vadd.f32 v6, v3;
	v3 =	vld [tilespmem:s16+$0xB800]  }
0xfa: {  	v6 =	vld [tilespmem:s16+$0xD800];
	[tilespmem:s16+$0x19870] =	vst v0  }
0xfb: {  	v0 =	vadd.f32 v7, v5;
	v5 =	vld [tilespmem:s16+$0xB810]  }
0xfc: {  	v7 =	vld [tilespmem:s16+$0xD810]  }
0xfd: {  	v2 =	vadd.f32 v8, v2;
	v8 =	vld [tilespmem:s16+$0xB820]  }
0xfe: {  	v9 =	vld [tilespmem:s16+$0xD820]  }
0xff: {  	v10 =	vld [tilespmem:s16+$0x5800];
	v3 =	vadd.f32 v6, v3  }
0x100: {  	v6 =	vld [tilespmem:s16+$0x5810]  }
0x101: {  	v11 =	vld [tilespmem:s16+$0x5820];
	v5 =	vadd.f32 v7, v5  }
0x102: {  	v7 =	vld [tilespmem:s16+$0x5830]  }
0x103: {  	v12 =	vld [tilespmem:s16+$0xF800];
	v8 =	vadd.f32 v9, v8  }
0x104: {  	v4 =	vadd.f32 v10, v4;
	v9 =	vld [tilespmem:s16+$0xF810]  }
0x105: {  	v1 =	vadd.f32 v6, v1;
	v6 =	vld [tilespmem:s16+$0xF820]  }
0x106: {  	v10 =	vld [tilespmem:s16+$0x7800];
	v0 =	vadd.f32 v11, v0  }
0x107: {  	v11 =	vld [tilespmem:s16+$0x7810];
	v2 =	vadd.f32 v7, v2  }
0x108: {  	v7 =	vld [tilespmem:s16+$0x7820];
	v3 =	vadd.f32 v12, v3  }
0x109: {  	v12 =	vld [tilespmem:s16+$0x7830];
	v5 =	vadd.f32 v9, v5  }
0x10a: {  	v9 =	vld [tilespmem:s16+$0x11800];
	v8 =	vadd.f32 v6, v8  }
0x10b: {  	v10 =	vadd.f32 v10, v4;
	v4 =	vld [tilespmem:s16+$0x11810]  }
0x10c: {  	v1 =	vadd.f32 v11, v1;
	v11 =	vld [tilespmem:s16+$0x11820]  }
0x10d: {  	v13 =	vld [tilespmem:s16+$0x9800];
	v14 =	vadd.f32 v7, v0  }
0x10e: {  	v15 =	vld [tilespmem:s16+$0x9810];
	v6 =	vadd.f32 v12, v2  }
0x10f: {  	v12 =	vld [tilespmem:s16+$0x9820];
	v2 =	vadd.f32 v9, v3  }
.Ltmp2:
0x110: {  	v7 =	vld [tilespmem:s16+$0x9830];
	v3 =	vadd.f32 v4, v5;
	(pc) =	sbr.rel @p1 .LBB2_3-.Ltmp2, $4  }
0x111: {  	v4 =	vld [tilespmem:s16+$0x13800];
	v0 =	vadd.f32 v11, v8  }
0x112: {  	v10 =	vadd.f32 v13, v10;
	v5 =	vld [tilespmem:s16+$0x13810]  }
0x113: {  	s18 =	sshra.s32 s22, $0x2;
	v9 =	vadd.f32 v15, v1;
	v8 =	vld [tilespmem:s16+$0x13820]  }
0x114: {  	s22 =	sadd.s32 $0x200, s22;
	v1 =	vld [tilespmem:s18+$0xB830];
	[tilespmem:s16+$0x19800] =	vst v10;
	v10 =	vadd.f32 v12, v14  }
0x115: {  	v11 =	vld [tilespmem:s18+$0xD830];
	[tilespmem:s16+$0x19810] =	vst v9;
	v6 =	vadd.f32 v7, v6  }
0x116: {  	v9 =	vld [tilespmem:s18+$0x1800];
	[tilespmem:s16+$0x19820] =	vst v10;
	v2 =	vadd.f32 v4, v2  }
0x117: {  	v7 =	vld [tilespmem:s18+$0xF830];
	[tilespmem:s16+$0x19830] =	vst v6;
	v3 =	vadd.f32 v5, v3  }
0x118: {  	v4 =	vld [tilespmem:s18+$0x3800];
	[tilespmem:s16+$0x19840] =	vst v2;
	v0 =	vadd.f32 v8, v0  }
0x119: {  	v2 =	vld [tilespmem:s18+$0x11830];
	[tilespmem:s16+$0x19850] =	vst v3  }
0x11a: {  	v3 =	vld [tilespmem:s18+$0x1810];
	[tilespmem:s16+$0x19860] =	vst v0  }
0x11b: {  	v0 =	vadd.f32 v11, v1;
	v1 =	vld [tilespmem:s18+$0x13830]  }
0x11c: {  	v5 =	vld [tilespmem:s18+$0x3810]  }
0x11d: {  	v6 =	vld [tilespmem:s18+$0x1820]  }
0x11e: {  	v8 =	vld [tilespmem:s18+$0x3830]  }
0x11f: {  	v10 =	vld [tilespmem:s18+$0xD800]  }
0x120: {  	v11 =	vld [tilespmem:s18+$0xD810]  }
0x121: {  	v12 =	vld [tilespmem:s18+$0xB820]  }
0x122: {  	v13 =	vld [tilespmem:s18+$0xD820]  }
0x123: {  	v14 =	vld [tilespmem:s18+$0x5800]  }
0x124: {  	v15 =	vld [tilespmem:s18+$0x5810]  }
0x125: {  	v16 =	vld [tilespmem:s18+$0x5820]  }
0x126: {  	v17 =	vld [tilespmem:s18+$0x5830]  }
0x127: {  	v18 =	vld [tilespmem:s18+$0xF800]  }
0x128: {  	v19 =	vld [tilespmem:s18+$0xF810]  }
0x129: {  	v20 =	vld [tilespmem:s18+$0xF820]  }
0x12a: {  	v21 =	vld [tilespmem:s18+$0x7800]  }
0x12b: {  	v22 =	vld [tilespmem:s18+$0x7810];
	v0 =	vadd.f32 v7, v0  }
0x12c: {  	v23 =	vld [tilespmem:s18+$0x7820]  }
0x12d: {  	v24 =	vld [tilespmem:s18+$0x7830];
	v0 =	vadd.f32 v2, v0  }
0x12e: {  	v7 =	vld [tilespmem:s18+$0x3820]  }
0x12f: {  	v2 =	vld [tilespmem:s18+$0x1830];
	v0 =	vadd.f32 v1, v0  }
0x130: {  	v1 =	vld [tilespmem:s18+$0xB800]  }
0x131: {  	v4 =	vadd.f32 v4, v9;
	[tilespmem:s18+$0x19870] =	vst v0;
	v0 =	vld [tilespmem:s18+$0xB810]  }
0x132: {  	v47 =	vld [tilespmem:s18+$0x9820];
	v3 =	vadd.f32 v5, v3  }
0x133: {  	v48 =	vld [tilespmem:s18+$0x9830];
	v9 =	vadd.f32 v13, v12;
	v4 =	vadd.f32 v14, v4  }
0x134: {  	v5 =	vld [tilespmem:s18+$0x11800];
	v6 =	vadd.f32 v7, v6;
	v2 =	vadd.f32 v8, v2  }
0x135: {  	v3 =	vadd.f32 v15, v3;
	v1 =	vadd.f32 v10, v1;
	v10 =	vld [tilespmem:s18+$0x9800]  }
0x136: {  	v2 =	vadd.f32 v17, v2;
	v0 =	vadd.f32 v11, v0;
	v11 =	vld [tilespmem:s18+$0x9810]  }
0x137: {  	v49 =	vld [tilespmem:s18+$0x13800];
	v4 =	vadd.f32 v21, v4;
	v6 =	vadd.f32 v16, v6  }
0x138: {  	v7 =	vld [tilespmem:s18+$0x11810];
	v3 =	vadd.f32 v22, v3;
	v2 =	vadd.f32 v24, v2  }
0x139: {  	v8 =	vld [tilespmem:s18+$0x11820];
	v1 =	vadd.f32 v18, v1;
	v0 =	vadd.f32 v19, v0  }
0x13a: {  	v2 =	vadd.f32 v48, v2;
	v4 =	vadd.f32 v10, v4;
	v10 =	vld [tilespmem:s18+$0x13810]  }
0x13b: {  	v1 =	vadd.f32 v5, v1;
	v3 =	vadd.f32 v11, v3;
	v11 =	vld [tilespmem:s18+$0x13820]  }
0x13c: {  	v9 =	vadd.f32 v20, v9;
	v6 =	vadd.f32 v23, v6;
	[tilespmem:s18+$0x19830] =	vst v2  }
0x13d: {  	v0 =	vadd.f32 v7, v0;
	v1 =	vadd.f32 v49, v1;
	[tilespmem:s18+$0x19800] =	vst v4  }
0x13e: {  	v4 =	vadd.f32 v47, v6;
	[tilespmem:s18+$0x19810] =	vst v3;
	v3 =	vadd.f32 v8, v9  }
0x13f: {  	[tilespmem:s18+$0x19840] =	vst v1;
	v0 =	vadd.f32 v10, v0  }
0x140: {  	[tilespmem:s18+$0x19820] =	vst v4;
	v1 =	vadd.f32 v11, v3  }
0x141: {  	[tilespmem:s18+$0x19850] =	vst v0  }
0x142: {  	s22 =	sadd.s32 s4, s0;
	p1 =	seq.s32 s20, $0x7;
	[tilespmem:s18+$0x19860] =	vst v1  }
0x143: {  	[hbm4b:s22+s2] =	stream.linear.scatter [tilespmem:s14], [sflag:$0x3], $0x1000, $0x38;
	[tilespmem:$0x1B800] =	vst v63  }
0x144: {  	s16 =	sadd.s32 @!p1 $0x40, s31;
	s18 =	simm.s32 @!p1 $0x20;
	s22 =	simm.s32 @!p1 $0x1800  }
0x145: {  	[tilespmem:s22], [sflag:$0x1] =	stream.indirect.gather @!p1 [hbm4b:s3+s18], $0x80, s16, s18, $0xb8;
	[tilespmem:$0x1B800] =	vst v63  }
0x146: {  	s16 =	sadd.s32 @!p1 $0x240, s31;
	s22 =	simm.s32 @!p1 $0x3800  }
0x147: {  	[tilespmem:s22], [sflag:$0x1] =	stream.indirect.gather @!p1 [hbm4b:s3+s18], $0x80, s16, s18, $0xb8;
	[tilespmem:$0x1B800] =	vst v63  }
0x148: {  	s16 =	sadd.s32 @!p1 $0x440, s31;
	s22 =	simm.s32 @!p1 $0x5800  }
0x149: {  	[tilespmem:s22], [sflag:$0x1] =	stream.indirect.gather @!p1 [hbm4b:s3+s18], $0x80, s16, s18, $0xb8;
	[tilespmem:$0x1B800] =	vst v63  }
0x14a: {  	s16 =	sadd.s32 @!p1 $0x640, s31;
	s22 =	simm.s32 @!p1 $0x7800  }
0x14b: {  	[tilespmem:s22], [sflag:$0x1] =	stream.indirect.gather @!p1 [hbm4b:s3+s18], $0x80, s16, s18, $0xb8;
	[tilespmem:$0x1B800] =	vst v63  }
0x14c: {  	s16 =	sadd.s32 @!p1 $0x840, s31;
	s22 =	simm.s32 @!p1 $0x9800  }
0x14d: {  	[tilespmem:s22], [sflag:$0x1] =	stream.indirect.gather @!p1 [hbm4b:s3+s18], $0x80, s16, s18, $0xb8;
	[tilespmem:$0x1B800] =	vst v63  }
0x14e: {  	s16 =	sadd.s32 @!p1 $0xA40, s31;
	s22 =	simm.s32 @!p1 $0xB800  }
0x14f: {  	[tilespmem:s22], [sflag:$0x1] =	stream.indirect.gather @!p1 [hbm4b:s3+s18], $0x80, s16, s18, $0xb8;
	[tilespmem:$0x1B800] =	vst v63  }
0x150: {  	s16 =	sadd.s32 @!p1 $0xC40, s31;
	s22 =	simm.s32 @!p1 $0xD800  }
0x151: {  	[tilespmem:s22], [sflag:$0x1] =	stream.indirect.gather @!p1 [hbm4b:s3+s18], $0x80, s16, s18, $0xb8;
	[tilespmem:$0x1B800] =	vst v63  }
0x152: {  	s16 =	sadd.s32 @!p1 $0xE40, s31;
	s22 =	simm.s32 @!p1 $0xF800  }
0x153: {  	[tilespmem:s22], [sflag:$0x1] =	stream.indirect.gather @!p1 [hbm4b:s3+s18], $0x80, s16, s18, $0xb8;
	[tilespmem:$0x1B800] =	vst v63  }
0x154: {  	s16 =	sadd.s32 @!p1 $0x1040, s31;
	s22 =	simm.s32 @!p1 $0x11800  }
0x155: {  	[tilespmem:s22], [sflag:$0x1] =	stream.indirect.gather @!p1 [hbm4b:s3+s18], $0x80, s16, s18, $0xb8;
	[tilespmem:$0x1B800] =	vst v63  }
0x156: {  	s16 =	sadd.s32 @!p1 $0x1240, s31;
	s22 =	simm.s32 @!p1 $0x13800  }
0x157: {  	[tilespmem:s22], [sflag:$0x1] =	stream.indirect.gather @!p1 [hbm4b:s3+s18], $0x80, s16, s18, $0xb8;
	[tilespmem:$0x1B800] =	vst v63  }
0x158: {  	s16 =	simm.s32 @!p1 $0x5  }
0x159: {  	_ =	swait.ge @!p1 [sflag:s16], $0x1000  }
0x15a: {  	[sflag:s16] =	ssyncset.done @!p1 $0x0  }
0x15b: {  	[sflag:s16] =	ssyncadd.s32 @!p1 $0xFFFFF000  }
0x15c: {  	_ =	swait.ge @!p1 [sflag:s16], $0x1000  }
0x15d: {  	[sflag:s16] =	ssyncset.done @!p1 $0x0  }
0x15e: {  	s22 =	simm.s32 @!p1 $0x15800;
	[sflag:s16] =	ssyncadd.s32 @!p1 $0xFFFFF000;
	s16 =	sadd.s32 @!p1 $0x1440, s31  }
0x15f: {  	[tilespmem:s22], [sflag:$0x1] =	stream.indirect.gather @!p1 [hbm4b:s3+s18], $0x80, s16, s18, $0xb8;
	[tilespmem:$0x1B800] =	vst v63  }
0x160: {  	s16 =	sadd.s32 @!p1 $0x1640, s31;
	s22 =	simm.s32 @!p1 $0x17800  }
0x161: {  	[tilespmem:s22], [sflag:$0x1] =	stream.indirect.gather @!p1 [hbm4b:s3+s18], $0x80, s16, s18, $0xb8;
	[tilespmem:$0x1B800] =	vst v63  }
0x162: {  	_ =	swait.ge [sflag:s30], $0x1000  }
0x163: {  	[sflag:s30] =	ssyncset.done $0x0  }
0x164: {  	[sflag:s30] =	ssyncadd.s32 $0xFFFFF000  }
0x165: {  	_ =	swait.ge [sflag:s30], $0x1000  }
0x166: {  	[sflag:s30] =	ssyncset.done $0x0  }
0x167: {  	[sflag:s30] =	ssyncadd.s32 $0xFFFFF000  }
0x168: {  	_ =	swait.ge [sflag:s30], $0x1000  }
0x169: {  	[sflag:s30] =	ssyncset.done $0x0  }
0x16a: {  	[sflag:s30] =	ssyncadd.s32 $0xFFFFF000  }
0x16b: {  	_ =	swait.ge [sflag:s30], $0x1000  }
0x16c: {  	[sflag:s30] =	ssyncset.done $0x0  }
0x16d: {  	[sflag:s30] =	ssyncadd.s32 $0xFFFFF000  }
0x16e: {  	_ =	swait.ge [sflag:s30], $0x1000  }
0x16f: {  	[sflag:s30] =	ssyncset.done $0x0  }
0x170: {  	[sflag:s30] =	ssyncadd.s32 $0xFFFFF000  }
0x171: {  	_ =	swait.ge [sflag:s30], $0x1000  }
0x172: {  	[sflag:s30] =	ssyncset.done $0x0  }
0x173: {  	[sflag:s30] =	ssyncadd.s32 $0xFFFFF000  }
0x174: {  	_ =	swait.ge [sflag:s30], $0x1000  }
0x175: {  	[sflag:s30] =	ssyncset.done $0x0  }
0x176: {  	[sflag:s30] =	ssyncadd.s32 $0xFFFFF000  }
0x177: {  	_ =	swait.ge [sflag:s30], $0x1000  }
0x178: {  	[sflag:s30] =	ssyncset.done $0x0  }
0x179: {  	[sflag:s30] =	ssyncadd.s32 $0xFFFFF000  }
0x17a: {  	_ =	swait.ge [sflag:s30], $0x1000  }
0x17b: {  	[sflag:s30] =	ssyncset.done $0x0  }
0x17c: {  	[sflag:s30] =	ssyncadd.s32 $0xFFFFF000  }
0x17d: {  	_ =	swait.ge [sflag:s30], $0x1000  }
0x17e: {  	[sflag:s30] =	ssyncset.done $0x0  }
0x17f: {  	[sflag:s30] =	ssyncadd.s32 $0xFFFFF000  }
0x180: {  	_ =	swait.ge [sflag:s30], $0x1000  }
0x181: {  	[sflag:s30] =	ssyncset.done $0x0  }
0x182: {  	[sflag:s30] =	ssyncadd.s32 $0xFFFFF000  }
0x183: {  	_ =	swait.ge [sflag:s30], $0x1000  }
0x184: {  	s0 =	sor.u32 $0x200, s0;
	[sflag:s30] =	ssyncset.done $0x0  }
0x185: {  	s18 =	sadd.s32 s5, s0;
	[sflag:s30] =	ssyncadd.s32 $0xFFFFF000  }
0x186: {  	[hbm4b:s18+s2] =	stream.linear.scatter [tilespmem:s13], [sflag:$0x6], $0x1000, $0x38;
	[tilespmem:$0x1B800] =	vst v63  }
0x187: {  	s22 =	sadd.s32 s6, s0;
	s16 =	simm.s32 @!p0 $0x4  }
0x188: {  	[hbm4b:s22+s2] =	stream.linear.scatter [tilespmem:s29], [sflag:$0x6], $0x1000, $0x38;
	[tilespmem:$0x1B800] =	vst v63  }
0x189: {  	_ =	swait.ge @!p0 [sflag:s16], $0x1000  }
0x18a: {  	[sflag:s16] =	ssyncset.done @!p0 $0x0  }
0x18b: {  	[sflag:s16] =	ssyncadd.s32 @!p0 $0xFFFFF000;
	s16 =	simm.s32 $0x0  }
0x18c: {  	v0 =	vld [tilespmem:s16+$0xC830]  }
0x18d: {  	v1 =	vld [tilespmem:s16+$0xE830]  }
0x18e: {  	v2 =	vld [tilespmem:s16+$0x2800]  }
0x18f: {  	v3 =	vld [tilespmem:s16+$0x10830]  }
0x190: {  	v4 =	vld [tilespmem:s16+$0x4800]  }
0x191: {  	v5 =	vld [tilespmem:s16+$0x12830]  }
0x192: {  	v6 =	vld [tilespmem:s16+$0x2810]  }
0x193: {  	v7 =	vld [tilespmem:s16+$0x4810]  }
0x194: {  	v8 =	vld [tilespmem:s16+$0x4820]  }
0x195: {  	v9 =	vld [tilespmem:s16+$0x4830]  }
0x196: {  	v10 =	vld [tilespmem:s16+$0xE800]  }
0x197: {  	v11 =	vld [tilespmem:s16+$0xE810]  }
0x198: {  	v50 =	vld [tilespmem:s16+$0xC820]  }
0x199: {  	v51 =	vld [tilespmem:s16+$0xE820]  }
0x19a: {  	v52 =	vld [tilespmem:s16+$0x6800]  }
0x19b: {  	v53 =	vld [tilespmem:s16+$0x6810]  }
0x19c: {  	v54 =	vld [tilespmem:s16+$0x6820]  }
0x19d: {  	v55 =	vld [tilespmem:s16+$0x6830]  }
0x19e: {  	v56 =	vld [tilespmem:s16+$0x10800]  }
0x19f: {  	v57 =	vld [tilespmem:s16+$0x10810]  }
0x1a0: {  	v58 =	vld [tilespmem:s16+$0x10820]  }
0x1a1: {  	v59 =	vld [tilespmem:s16+$0x8800];
	v0 =	vadd.f32 v1, v0  }
0x1a2: {  	v1 =	vld [tilespmem:s16+$0x14830]  }
0x1a3: {  	v60 =	vld [tilespmem:s16+$0x8810];
	v0 =	vadd.f32 v3, v0  }
0x1a4: {  	v61 =	vld [tilespmem:s16+$0x8820]  }
0x1a5: {  	v62 =	vld [tilespmem:s16+$0x8830];
	v0 =	vadd.f32 v5, v0  }
0x1a6: {  	v3 =	vld [tilespmem:s16+$0x2820]  }
0x1a7: {  	v5 =	vld [tilespmem:s16+$0x2830];
	v0 =	vadd.f32 v1, v0  }
0x1a8: {  	v2 =	vadd.f32 v4, v2;
	v1 =	vld [tilespmem:s16+$0xC800]  }
0x1a9: {  	v4 =	vadd.f32 v7, v6;
	[tilespmem:s16+$0x1A870] =	vst v0;
	v0 =	vld [tilespmem:s16+$0xC810]  }
0x1aa: {  	v25 =	vld [tilespmem:s16+$0x12800];
	v6 =	vadd.f32 v51, v50;
	v2 =	vadd.f32 v52, v2  }
0x1ab: {  	v63 =	vld [tilespmem:s16+$0xA820];
	v4 =	vadd.f32 v53, v4;
	v3 =	vadd.f32 v8, v3  }
0x1ac: {  	v13 =	vadd.f32 v58, v6;
	v14 =	vadd.f32 v59, v2;
	v8 =	vld [tilespmem:s16+$0xA800]  }
0x1ad: {  	v5 =	vadd.f32 v9, v5;
	v9 =	vld [tilespmem:s16+$0x12810];
	v3 =	vadd.f32 v54, v3  }
0x1ae: {  	v1 =	vadd.f32 v10, v1;
	v0 =	vadd.f32 v11, v0;
	v11 =	vld [tilespmem:s16+$0xA810]  }
0x1af: {  	v15 =	vadd.f32 v60, v4;
	v10 =	vld [tilespmem:s16+$0x12820];
	v5 =	vadd.f32 v55, v5  }
0x1b0: {  	v7 =	vld [tilespmem:s16+$0xA830];
	v16 =	vadd.f32 v61, v3;
	v1 =	vadd.f32 v56, v1  }
0x1b1: {  	v4 =	vld [tilespmem:s16+$0x14800];
	v14 =	vadd.f32 v8, v14;
	v0 =	vadd.f32 v57, v0  }
0x1b2: {  	v6 =	vadd.f32 v62, v5;
	v5 =	vld [tilespmem:s16+$0x14810];
	v2 =	vadd.f32 v25, v1  }
0x1b3: {  	s18 =	simm.s32 $0x80;
	v8 =	vld [tilespmem:s16+$0x14820];
	v3 =	vadd.f32 v9, v0;
	v9 =	vadd.f32 v11, v15  }
0x1b4: {  	s22 =	simm.s32 $0x400;
	v1 =	vld [tilespmem:s18+$0xC830];
	[tilespmem:s16+$0x1A800] =	vst v14;
	v0 =	vadd.f32 v10, v13;
	v10 =	vadd.f32 v63, v16  }
.LBB2_5:
0x1b5: {  	p0 =	sne.s32 s22, $0x3E00;
	v11 =	vld [tilespmem:s18+$0xE830];
	[tilespmem:s16+$0x1A810] =	vst v9;
	v6 =	vadd.f32 v7, v6  }
0x1b6: {  	v7 =	vld [tilespmem:s18+$0x2800];
	[tilespmem:s16+$0x1A820] =	vst v10;
	v2 =	vadd.f32 v4, v2  }
0x1b7: {  	v4 =	vld [tilespmem:s18+$0x10830];
	[tilespmem:s16+$0x1A830] =	vst v6;
	v3 =	vadd.f32 v5, v3  }
0x1b8: {  	v5 =	vld [tilespmem:s18+$0x4800];
	[tilespmem:s16+$0x1A840] =	vst v2;
	v0 =	vadd.f32 v8, v0  }
0x1b9: {  	v2 =	vld [tilespmem:s18+$0x12830];
	[tilespmem:s16+$0x1A850] =	vst v3  }
0x1ba: {  	v3 =	vld [tilespmem:s18+$0x2810];
	v1 =	vadd.f32 v11, v1;
	[tilespmem:s16+$0x1A860] =	vst v0;
	s16 =	smov.u32 s18  }
0x1bb: {  	v0 =	vld [tilespmem:s16+$0x14830]  }
0x1bc: {  	v6 =	vld [tilespmem:s16+$0x4810];
	v1 =	vadd.f32 v4, v1  }
0x1bd: {  	v4 =	vadd.f32 v5, v7;
	v5 =	vld [tilespmem:s16+$0x2820]  }
0x1be: {  	v7 =	vld [tilespmem:s16+$0x4820];
	v1 =	vadd.f32 v2, v1  }
0x1bf: {  	v2 =	vld [tilespmem:s16+$0x2830]  }
0x1c0: {  	v8 =	vld [tilespmem:s16+$0x4830];
	v0 =	vadd.f32 v0, v1  }
0x1c1: {  	v1 =	vadd.f32 v6, v3;
	v3 =	vld [tilespmem:s16+$0xC800]  }
0x1c2: {  	v6 =	vld [tilespmem:s16+$0xE800];
	[tilespmem:s16+$0x1A870] =	vst v0  }
0x1c3: {  	v0 =	vadd.f32 v7, v5;
	v5 =	vld [tilespmem:s16+$0xC810]  }
0x1c4: {  	v7 =	vld [tilespmem:s16+$0xE810]  }
0x1c5: {  	v2 =	vadd.f32 v8, v2;
	v8 =	vld [tilespmem:s16+$0xC820]  }
0x1c6: {  	v9 =	vld [tilespmem:s16+$0xE820]  }
0x1c7: {  	v10 =	vld [tilespmem:s16+$0x6800];
	v3 =	vadd.f32 v6, v3  }
0x1c8: {  	v6 =	vld [tilespmem:s16+$0x6810]  }
0x1c9: {  	v11 =	vld [tilespmem:s16+$0x6820];
	v5 =	vadd.f32 v7, v5  }
0x1ca: {  	v7 =	vld [tilespmem:s16+$0x6830]  }
0x1cb: {  	v12 =	vld [tilespmem:s16+$0x10800];
	v8 =	vadd.f32 v9, v8  }
0x1cc: {  	v4 =	vadd.f32 v10, v4;
	v9 =	vld [tilespmem:s16+$0x10810]  }
0x1cd: {  	v1 =	vadd.f32 v6, v1;
	v6 =	vld [tilespmem:s16+$0x10820]  }
0x1ce: {  	v10 =	vld [tilespmem:s16+$0x8800];
	v0 =	vadd.f32 v11, v0  }
0x1cf: {  	v11 =	vld [tilespmem:s16+$0x8810];
	v2 =	vadd.f32 v7, v2  }
0x1d0: {  	v7 =	vld [tilespmem:s16+$0x8820];
	v3 =	vadd.f32 v12, v3  }
0x1d1: {  	v12 =	vld [tilespmem:s16+$0x8830];
	v5 =	vadd.f32 v9, v5  }
0x1d2: {  	v9 =	vld [tilespmem:s16+$0x12800];
	v8 =	vadd.f32 v6, v8  }
0x1d3: {  	v10 =	vadd.f32 v10, v4;
	v4 =	vld [tilespmem:s16+$0x12810]  }
0x1d4: {  	v1 =	vadd.f32 v11, v1;
	v11 =	vld [tilespmem:s16+$0x12820]  }
0x1d5: {  	v13 =	vld [tilespmem:s16+$0xA800];
	v14 =	vadd.f32 v7, v0  }
0x1d6: {  	v15 =	vld [tilespmem:s16+$0xA810];
	v6 =	vadd.f32 v12, v2  }
0x1d7: {  	v12 =	vld [tilespmem:s16+$0xA820];
	v2 =	vadd.f32 v9, v3  }
.Ltmp3:
0x1d8: {  	v7 =	vld [tilespmem:s16+$0xA830];
	v3 =	vadd.f32 v4, v5;
	(pc) =	sbr.rel @p0 .LBB2_5-.Ltmp3, $4  }
0x1d9: {  	v4 =	vld [tilespmem:s16+$0x14800];
	v0 =	vadd.f32 v11, v8  }
0x1da: {  	v10 =	vadd.f32 v13, v10;
	v5 =	vld [tilespmem:s16+$0x14810]  }
0x1db: {  	s18 =	sshra.s32 s22, $0x2;
	v9 =	vadd.f32 v15, v1;
	v8 =	vld [tilespmem:s16+$0x14820]  }
0x1dc: {  	s22 =	sadd.s32 $0x200, s22;
	v1 =	vld [tilespmem:s18+$0xC830];
	[tilespmem:s16+$0x1A800] =	vst v10;
	v10 =	vadd.f32 v12, v14  }
0x1dd: {  	v11 =	vld [tilespmem:s18+$0xE830];
	[tilespmem:s16+$0x1A810] =	vst v9;
	v6 =	vadd.f32 v7, v6  }
0x1de: {  	v9 =	vld [tilespmem:s18+$0x2800];
	[tilespmem:s16+$0x1A820] =	vst v10;
	v2 =	vadd.f32 v4, v2  }
0x1df: {  	v39 =	vld [tilespmem:s18+$0x10830];
	[tilespmem:s16+$0x1A830] =	vst v6;
	v3 =	vadd.f32 v5, v3  }
0x1e0: {  	v40 =	vld [tilespmem:s18+$0x4800];
	[tilespmem:s16+$0x1A840] =	vst v2;
	v0 =	vadd.f32 v8, v0  }
0x1e1: {  	v2 =	vld [tilespmem:s18+$0x12830];
	[tilespmem:s16+$0x1A850] =	vst v3  }
0x1e2: {  	v3 =	vld [tilespmem:s18+$0x2810];
	[tilespmem:s16+$0x1A860] =	vst v0  }
0x1e3: {  	v42 =	vld [tilespmem:s18+$0x14830]  }
0x1e4: {  	v43 =	vld [tilespmem:s18+$0x4810]  }
0x1e5: {  	v6 =	vld [tilespmem:s18+$0x2820]  }
0x1e6: {  	v44 =	vld [tilespmem:s18+$0x4820]  }
0x1e7: {  	v45 =	vld [tilespmem:s18+$0x2830]  }
0x1e8: {  	v46 =	vld [tilespmem:s18+$0x4830]  }
0x1e9: {  	v47 =	vld [tilespmem:s18+$0xC800]  }
0x1ea: {  	v10 =	vld [tilespmem:s18+$0xE800]  }
0x1eb: {  	v48 =	vld [tilespmem:s18+$0xC810]  }
0x1ec: {  	v49 =	vld [tilespmem:s18+$0xE810]  }
0x1ed: {  	v12 =	vld [tilespmem:s18+$0xC820]  }
0x1ee: {  	v13 =	vld [tilespmem:s18+$0xE820]  }
0x1ef: {  	v14 =	vld [tilespmem:s18+$0x6800]  }
0x1f0: {  	v15 =	vld [tilespmem:s18+$0x6810]  }
0x1f1: {  	v16 =	vld [tilespmem:s18+$0x6820]  }
0x1f2: {  	v17 =	vld [tilespmem:s18+$0x6830]  }
0x1f3: {  	v18 =	vld [tilespmem:s18+$0x10800]  }
0x1f4: {  	v41 =	vadd.f32 v11, v1;
	v19 =	vld [tilespmem:s18+$0x10810]  }
0x1f5: {  	v20 =	vld [tilespmem:s18+$0x10820]  }
0x1f6: {  	v21 =	vld [tilespmem:s18+$0x8800];
	v0 =	vadd.f32 v39, v41  }
0x1f7: {  	v22 =	vld [tilespmem:s18+$0x8810]  }
0x1f8: {  	v23 =	vld [tilespmem:s18+$0x8820];
	v0 =	vadd.f32 v2, v0  }
0x1f9: {  	v24 =	vld [tilespmem:s18+$0x8830];
	v4 =	vadd.f32 v40, v9  }
0x1fa: {  	v50 =	vld [tilespmem:s18+$0x12800];
	v0 =	vadd.f32 v42, v0;
	v3 =	vadd.f32 v43, v3  }
0x1fb: {  	v51 =	vld [tilespmem:s18+$0x12810];
	v6 =	vadd.f32 v44, v6;
	v2 =	vadd.f32 v46, v45  }
0x1fc: {  	v52 =	vld [tilespmem:s18+$0x12820];
	v1 =	vadd.f32 v10, v47;
	v53 =	vadd.f32 v13, v12  }
0x1fd: {  	v54 =	vld [tilespmem:s18+$0xA800];
	v4 =	vadd.f32 v14, v4;
	[tilespmem:s18+$0x1A870] =	vst v0;
	v0 =	vadd.f32 v49, v48  }
0x1fe: {  	v55 =	vld [tilespmem:s18+$0xA810];
	v3 =	vadd.f32 v15, v3;
	v6 =	vadd.f32 v16, v6  }
0x1ff: {  	v56 =	vld [tilespmem:s18+$0xA820];
	v2 =	vadd.f32 v17, v2;
	v1 =	vadd.f32 v18, v1  }
0x200: {  	v57 =	vld [tilespmem:s18+$0xA830];
	v4 =	vadd.f32 v21, v4;
	v9 =	vadd.f32 v20, v53  }
0x201: {  	v58 =	vld [tilespmem:s18+$0x14800];
	v0 =	vadd.f32 v19, v0;
	v3 =	vadd.f32 v22, v3  }
0x202: {  	v60 =	vld [tilespmem:s18+$0x14820];
	v6 =	vadd.f32 v23, v6;
	v4 =	vadd.f32 v54, v4  }
0x203: {  	v59 =	vld [tilespmem:s18+$0x14810];
	v2 =	vadd.f32 v24, v2;
	v3 =	vadd.f32 v55, v3  }
0x204: {  	v1 =	vadd.f32 v50, v1;
	[tilespmem:s18+$0x1A800] =	vst v4;
	v61 =	vadd.f32 v56, v6  }
0x205: {  	v62 =	vadd.f32 v52, v9;
	v2 =	vadd.f32 v57, v2;
	[tilespmem:s18+$0x1A810] =	vst v3  }
0x206: {  	v0 =	vadd.f32 v51, v0;
	v1 =	vadd.f32 v58, v1;
	[tilespmem:s18+$0x1A820] =	vst v61  }
.Ltmp4:
0x207: {  	v63 =	vadd.f32 v60, v62;
	[tilespmem:s18+$0x1A830] =	vst v2;
	(pc) =	sbr.rel @p1 .LBB2_8-.Ltmp4, $4  }
0x208: {  	v0 =	vadd.f32 v59, v0;
	[tilespmem:s18+$0x1A840] =	vst v1  }
0x209: {  	[tilespmem:s18+$0x1A860] =	vst v63  }
0x20a: {  	s0 =	sadd.s32 s4, s0;
	[tilespmem:s18+$0x1A850] =	vst v0  }
0x20b: {  	[hbm4b:s0+s2] =	stream.linear.scatter [tilespmem:s15], [sflag:$0x4], $0x1000, $0x38;
	[tilespmem:$0x1B800] =	vst v63  }
0x20c: {  	s0 =	sadd.s32 $0x60, s31  }
0x20d: {  	[tilespmem:s9], [sflag:$0x2] =	stream.indirect.gather [hbm4b:s3+s7], $0x80, s0, s7, $0xb8;
	[tilespmem:$0x1B800] =	vst v63  }
0x20e: {  	s22 =	sadd.s32 $0x260, s31  }
0x20f: {  	[tilespmem:s10], [sflag:$0x2] =	stream.indirect.gather [hbm4b:s3+s7], $0x80, s22, s7, $0xb8;
	[tilespmem:$0x1B800] =	vst v63  }
0x210: {  	s16 =	sadd.s32 $0x460, s31  }
0x211: {  	[tilespmem:s11], [sflag:$0x2] =	stream.indirect.gather [hbm4b:s3+s7], $0x80, s16, s7, $0xb8;
	[tilespmem:$0x1B800] =	vst v63  }
0x212: {  	s18 =	sadd.s32 $0x660, s31  }
0x213: {  	[tilespmem:s23], [sflag:$0x2] =	stream.indirect.gather [hbm4b:s3+s7], $0x80, s18, s7, $0xb8;
	[tilespmem:$0x1B800] =	vst v63  }
0x214: {  	s22 =	sadd.s32 $0x860, s31  }
0x215: {  	[tilespmem:s24], [sflag:$0x2] =	stream.indirect.gather [hbm4b:s3+s7], $0x80, s22, s7, $0xb8;
	[tilespmem:$0x1B800] =	vst v63  }
0x216: {  	s16 =	sadd.s32 $0xA60, s31  }
0x217: {  	[tilespmem:s25], [sflag:$0x2] =	stream.indirect.gather [hbm4b:s3+s7], $0x80, s16, s7, $0xb8;
	[tilespmem:$0x1B800] =	vst v63  }
0x218: {  	s18 =	sadd.s32 $0xC60, s31;
	s16 =	simm.s32 $0xE800  }
0x219: {  	[tilespmem:s16], [sflag:$0x2] =	stream.indirect.gather [hbm4b:s3+s7], $0x80, s18, s7, $0xb8;
	[tilespmem:$0x1B800] =	vst v63  }
0x21a: {  	s22 =	sadd.s32 $0xE60, s31  }
0x21b: {  	[tilespmem:s26], [sflag:$0x2] =	stream.indirect.gather [hbm4b:s3+s7], $0x80, s22, s7, $0xb8;
	[tilespmem:$0x1B800] =	vst v63  }
0x21c: {  	s16 =	sadd.s32 $0x1060, s31  }
0x21d: {  	[tilespmem:s12], [sflag:$0x2] =	stream.indirect.gather [hbm4b:s3+s7], $0x80, s16, s7, $0xb8;
	[tilespmem:$0x1B800] =	vst v63  }
0x21e: {  	s18 =	sadd.s32 $0x1260, s31  }
0x21f: {  	[tilespmem:s28], [sflag:$0x2] =	stream.indirect.gather [hbm4b:s3+s7], $0x80, s18, s7, $0xb8;
	[tilespmem:$0x1B800] =	vst v63  }
0x220: {  	_ =	swait.ge [sflag:s17], $0x1000  }
0x221: {  	[sflag:s17] =	ssyncset.done $0x0  }
0x222: {  	[sflag:s17] =	ssyncadd.s32 $0xFFFFF000  }
0x223: {  	_ =	swait.ge [sflag:s17], $0x1000  }
.Ltmp5:
0x224: {  	[sflag:s17] =	ssyncset.done $0x0;
	(pc) =	sbr.rel .LBB2_2-.Ltmp5, $4  }
0x225: {  	s22 =	sadd.s32 $0x1460, s31;
	[sflag:s17] =	ssyncadd.s32 $0xFFFFF000  }
0x226: {  	[tilespmem:s13], [sflag:$0x2] =	stream.indirect.gather [hbm4b:s3+s7], $0x80, s22, s7, $0xb8;
	[tilespmem:$0x1B800] =	vst v63  }
0x227: {  	s20 =	sadd.s32 $0x1, s20;
	s31 =	sadd.s32 $0x1660, s31  }
0x228: {  	[tilespmem:s29], [sflag:$0x2] =	stream.indirect.gather [hbm4b:s3+s7], $0x80, s31, s7, $0xb8;
	[tilespmem:$0x1B800] =	vst v63  }
.LBB2_9:
0x229: {  	_ =	sfence.sel $0x180000  }
0x22a: {  	[bflag:$0x0] =	sbarrier.arrive $0xFFFF  }
0x22b: {  	_ =	strace $0x90000047  }
0x22c: {  	s0 =	stileid.u32;
	[bflag:$0x2] =	sbarrier.arrive $0xFFFF  }
0x22d: {  	p0 =	sne.s32 s0, $0x0;
	s0 =	rddreg [dreg:$0x1]  }
0x22e: {  	s0 =	sadd.s32 @!p0 $0x100000, s0  }
0x22f: {  	[sflag:s0] =	ssyncadd.tile.s32 @!p0 $0x1;
	_ =	shalt  }
.Lfunc_end2:
_tile_overlayer_lowered:
.L_overlay_start_2:
0x230: {  	(tag) =	ssettag $0x2  }
0x231: {  	s0 =	rddreg [dreg:$0x0];
	s2 =	stileid.u32  }
0x232: {  	s1 =	rddreg [dreg:$0x1];
	p0 =	sne.s32 s2, $0x0  }
0x233: {  	s3 =	rddreg [dreg:$0x2];
	[bflag:$0x3] =	sbarrier.arrive $0xFFFF;
	s2 =	simm.s32 @!p0 $0x1C07  }
0x234: {  	[timem:s3], [sflag:s2] =	dma.local @!p0 [hbm:s0], s1  }
0x235: {  	s0 =	simm.s32 @!p0 $0x7  }
0x236: {  	_ =	swait.ge @!p0 [sflag:s0], s1  }
0x237: {  	s1 =	ssub.s32 @!p0 $0x0, s1;
	[sflag:s0] =	ssyncset.done @!p0 $0x0  }
0x238: {  	[sflag:s0] =	ssyncadd.s32 @!p0 s1  }
0x239: {  	[bflag:$0x3] =	sbarrier.arrive $0xFFFF  }
0x23a: {  	_ =	shalt  }

</sc_bundles>
